<compile_context>
chip_gen: v7x
topology: tpu7x:2x2x1
jax: 0.10.2.dev20260603
libtpu: 0.0.44.dev20260713+nightly
codegen_flags: <defaults>
</compile_context>

<pallas_src>
import jax
import jax.numpy as jnp
from jax import lax
from jax.experimental import pallas as pl
from jax.experimental.pallas import tpu as pltpu
from jax.experimental.pallas import tpu_sc as plsc

N = 16384
C = 1000
NW = 32
RW = N // NW
RQ = RW // 128


def _sc_body(pred_hbm, tgt_hbm, tval_hbm, tgt_v, idx_v, tval_v, sem):
    sid = lax.axis_index("s")
    cid = lax.axis_index("c")
    wid = sid * 2 + cid
    base = wid * RW
    pltpu.sync_copy(tgt_hbm.at[wid], tgt_v)
    l16 = lax.iota(jnp.int32, 16)
    for r in range(RQ):
        for k in range(8):
            t16 = tgt_v[r, pl.ds(k * 16, 16)]
            row0 = base + r * 128 + k * 16
            idx_v[r, pl.ds(k * 16, 16)] = (l16 + row0) * C + t16
    copies = [pltpu.async_copy(pred_hbm.at[idx_v.at[r]], tval_v.at[r], sem)
              for r in range(RQ)]
    for cp in copies:
        cp.wait()
    pltpu.sync_copy(tval_v, tval_hbm.at[wid])


_sc_probe = pl.kernel(
    _sc_body,
    mesh=plsc.VectorSubcoreMesh(core_axis_name="c", subcore_axis_name="s"),
    out_type=[
        jax.ShapeDtypeStruct((NW, RQ, 128), jnp.float32),
    ],
    scratch_types=[
        pltpu.VMEM((RQ, 128), jnp.int32),
        pltpu.VMEM((RQ, 128), jnp.int32),
        pltpu.VMEM((RQ, 128), jnp.float32),
        pltpu.SemaphoreType.DMA,
    ],
)


@jax.jit
def kernel(pred, target, classes_ema, prob_bins_ema):
    pred_flat = pred.reshape(N * C)
    tgt3 = target.reshape(NW, RQ, 128)
    (tval,) = _sc_probe(pred_flat, tgt3)
    return jnp.sum(tval), prob_bins_ema, classes_ema

# --- scband reference (transcript-rebuilt; emitter-appended) ---
"""Pipeline reference for scband-ghmloss-6356551598283 (READ-ONLY COPY).

The authoritative reference and input builder live on the scoring server;
editing this copy changes nothing except your own understanding.
"""

import jax, jax.numpy as jnp
import numpy as np

NUM_CLASSES = 1000
NUM_PROB_BINS = 10
ALPHA = 0.99


def setup_inputs(seed: int = 0) -> dict:
    key = jax.random.key(seed)
    k1, k2 = jax.random.split(key)
    pred = jax.random.normal(k1, (16384, NUM_CLASSES), dtype=jnp.float32)
    target = jax.random.randint(k2, (16384,), 0, NUM_CLASSES, dtype=jnp.int32)
    classes_ema = jnp.ones((NUM_CLASSES,), dtype=jnp.float32)
    prob_bins_ema = jnp.ones((NUM_PROB_BINS,), dtype=jnp.float32)
    return {"pred": pred, "target": target, "classes_ema": classes_ema, "prob_bins_ema": prob_bins_ema}


def reference(pred, target, classes_ema, prob_bins_ema):
    n = pred.shape[0]
    # softmax probabilities
    pred_prob = jax.nn.softmax(pred, axis=1)
    # one-hot target prob via scatter-overwrite
    target_prob = jnp.zeros_like(pred_prob).at[jnp.arange(n), target].set(1.0)
    p = jnp.clip(jnp.sum(pred_prob * target_prob, axis=1), 1e-06, 1.0 - 1e-06)
    # cross entropy, reduction='none', label_smoothing=0
    logp = jax.nn.log_softmax(pred, axis=1)
    loss = -jnp.take_along_axis(logp, target[:, None], axis=1)[:, 0]
    # gradient-harmonizing weights: gather from class EMA and prob-bin EMA tables
    bin_idx = jnp.floor(p * NUM_PROB_BINS - 1e-06).astype(jnp.int32)
    bin_idx = jnp.clip(bin_idx, 0, NUM_PROB_BINS - 1)
    w = jnp.sqrt(classes_ema[target] * prob_bins_ema[bin_idx] + 1e-10)
    loss_weighted = loss / w
    loss_mean = jnp.mean(loss_weighted)
    # torch.histc(p, bins=NUM_PROB_BINS, min=0, max=1) via scatter-add
    hist_idx = jnp.clip(jnp.floor(p * NUM_PROB_BINS).astype(jnp.int32), 0, NUM_PROB_BINS - 1)
    prob_bins = jnp.zeros((NUM_PROB_BINS,), dtype=jnp.float32).at[hist_idx].add(1.0)
    prob_bins = prob_bins / (jnp.sum(prob_bins) + 1e-10) * NUM_PROB_BINS
    new_prob_bins_ema = prob_bins_ema * ALPHA + (1.0 - ALPHA) * prob_bins
    new_prob_bins_ema = new_prob_bins_ema / (jnp.sum(new_prob_bins_ema) + 1e-10) * NUM_PROB_BINS
    # torch.histc(target.float(), bins=NUM_CLASSES, min=0, max=NUM_CLASSES-1) == bincount for integer targets
    classes = jnp.bincount(target, length=NUM_CLASSES).astype(jnp.float32)
    classes = classes / (jnp.sum(classes) + 1e-10) * NUM_CLASSES
    new_classes_ema = classes_ema * ALPHA + (1.0 - ALPHA) * classes
    new_classes_ema = new_classes_ema / (jnp.sum(new_classes_ema) + 1e-10) * NUM_CLASSES
    return loss_mean, new_prob_bins_ema, new_classes_ema

if __name__ == "__main__":
    import jax
    _d = setup_inputs()
    print(jax.jit(kernel)(*tuple(_d.values())))

</pallas_src>

<mosaic_0001>
#map = affine_map<(d0, d1) -> (0)>
#map1 = affine_map<(d0, d1) -> (0, 0, 0)>
module attributes {stable_mosaic.version = 14 : i64} {
  func.func @_sc_body(%arg0: i32, %arg1: i32, %arg2: memref<16384000xf32, #tpu.memory_space<hbm>>, %arg3: memref<32x4x128xi32, #tpu.memory_space<hbm>>, %arg4: memref<32x4x128xf32, #tpu.memory_space<hbm>>, %arg5: memref<4x128xi32, #tpu.memory_space<vmem>>, %arg6: memref<4x128xi32, #tpu.memory_space<vmem>>, %arg7: memref<4x128xf32, #tpu.memory_space<vmem>>, %arg8: memref<!tpu.dma_semaphore, #tpu.memory_space<semaphore_mem>>) attributes {dimension_semantics = [#tpu.dimension_semantics<core_parallel>, #tpu.dimension_semantics<subcore_parallel>], iteration_bounds = array<i64: 2, 16>, scalar_prefetch = 0 : i64, scratch_operands = 4 : i64, tpu.core_type = #tpu.core_type<sc_vector_subcore>, window_params = [{transform_indices = #map}, {transform_indices = #map1}, {transform_indices = #map1}]} {
    %mul3A = arith.constant 2 : i32
    %mul3A_0 = arith.muli %arg1, %mul3A : i32
    %add3A = arith.addi %mul3A_0, %arg0 : i32
    %mul3A_1 = arith.constant 512 : i32
    %mul3A_2 = arith.muli %add3A, %mul3A_1 : i32
    "tpu.region"() ({
      %run_scoped3A = tpu.sem_alloc : memref<!tpu.dma_semaphore, #tpu.memory_space<semaphore_mem>>
      %dma_start3A_751 = arith.constant 0 : i32
      %dma_start3A_752 = arith.constant 0 : i32
      %dma_start3A_753 = tpu.memref_slice %arg3[%add3A, %dma_start3A_751, %dma_start3A_752] : memref<32x4x128xi32, #tpu.memory_space<hbm>> -> memref<1x4x128xi32, #tpu.memory_space<hbm>>
      %dma_start3A_754 = tpu.memref_squeeze %dma_start3A_753 : memref<1x4x128xi32, #tpu.memory_space<hbm>> -> memref<4x128xi32, #tpu.memory_space<hbm>>
      %dma_start3A_755 = arith.constant 0 : i32
      %dma_start3A_756 = arith.constant 0 : i32
      %dma_start3A_757 = tpu.memref_slice %arg3[%add3A, %dma_start3A_755, %dma_start3A_756] : memref<32x4x128xi32, #tpu.memory_space<hbm>> -> memref<1x4x128xi32, #tpu.memory_space<hbm>>
      %dma_start3A_758 = tpu.memref_squeeze %dma_start3A_757 : memref<1x4x128xi32, #tpu.memory_space<hbm>> -> memref<4x128xi32, #tpu.memory_space<hbm>>
      tpu.enqueue_dma source(%dma_start3A_758 : memref<4x128xi32, #tpu.memory_space<hbm>>) target(%arg5 : memref<4x128xi32, #tpu.memory_space<vmem>>) target_semaphore(%run_scoped3A : memref<!tpu.dma_semaphore, #tpu.memory_space<semaphore_mem>>)
      %dma_wait3A_759 = arith.constant 0 : i32
      %dma_wait3A_760 = arith.constant 0 : i32
      %dma_wait3A_761 = tpu.memref_slice %arg3[%add3A, %dma_wait3A_759, %dma_wait3A_760] : memref<32x4x128xi32, #tpu.memory_space<hbm>> -> memref<1x4x128xi32, #tpu.memory_space<hbm>>
      %dma_wait3A_762 = tpu.memref_squeeze %dma_wait3A_761 : memref<1x4x128xi32, #tpu.memory_space<hbm>> -> memref<4x128xi32, #tpu.memory_space<hbm>>
      %dma_wait3A_763 = arith.constant 0 : i32
      %dma_wait3A_764 = arith.constant 0 : i32
      %dma_wait3A_765 = tpu.memref_slice %arg3[%add3A, %dma_wait3A_763, %dma_wait3A_764] : memref<32x4x128xi32, #tpu.memory_space<hbm>> -> memref<1x4x128xi32, #tpu.memory_space<hbm>>
      %dma_wait3A_766 = tpu.memref_squeeze %dma_wait3A_765 : memref<1x4x128xi32, #tpu.memory_space<hbm>> -> memref<4x128xi32, #tpu.memory_space<hbm>>
      tpu.wait_dma2 semaphore(%run_scoped3A : memref<!tpu.dma_semaphore, #tpu.memory_space<semaphore_mem>>) src(%dma_wait3A_766 : memref<4x128xi32, #tpu.memory_space<hbm>>) dst(%arg5 : memref<4x128xi32, #tpu.memory_space<vmem>>)
      tpu.yield
    }) : () -> ()
    %iota3A = tpu.iota {dimensions = array<i32: 0>} : vector<16xi32>
    %get3A = arith.constant 0 : i32
    %get3A_3 = arith.index_cast %get3A : i32 to index
    %get3A_4 = arith.constant 0 : index
    %get3A_5 = tpu.vector_load %arg5[%get3A_3, %get3A_4] {strides = array<i32>} : memref<4x128xi32, #tpu.memory_space<vmem>>, vector<1x16xi32>,
    %get3A_6 = vector.shape_cast %get3A_5 : vector<1x16xi32> to vector<16xi32>
    %add3A_7 = arith.constant 0 : i32
    %add3A_8 = arith.addi %mul3A_2, %add3A_7 : i32
    %add3A_9 = arith.constant 0 : i32
    %add3A_10 = arith.addi %add3A_8, %add3A_9 : i32
    %add3A_11 = vector.broadcast %add3A_10 : i32 to vector<16xi32>
    %add3A_12 = arith.addi %iota3A, %add3A_11 : vector<16xi32>
    %mul3A_13 = arith.constant 1000 : i32
    %mul3A_14 = vector.broadcast %mul3A_13 : i32 to vector<16xi32>
    %mul3A_15 = arith.muli %add3A_12, %mul3A_14 : vector<16xi32>
    %add3A_16 = arith.addi %mul3A_15, %get3A_6 : vector<16xi32>
    %swap3A = arith.constant 0 : i32
    %swap3A_17 = arith.index_cast %swap3A : i32 to index
    %swap3A_18 = arith.constant 0 : index
    %swap3A_19 = tpu.vector_load %arg6[%swap3A_17, %swap3A_18] {strides = array<i32>} : memref<4x128xi32, #tpu.memory_space<vmem>>, vector<1x16xi32>,
    %swap3A_20 = vector.shape_cast %swap3A_19 : vector<1x16xi32> to vector<16xi32>
    %swap3A_21 = vector.shape_cast %add3A_16 : vector<16xi32> to vector<1x16xi32>
    tpu.vector_store %arg6[%swap3A_17, %swap3A_18], %swap3A_21 {strides = array<i32>} : memref<4x128xi32, #tpu.memory_space<vmem>>, vector<1x16xi32>,
    %get3A_22 = arith.constant 0 : i32
    %get3A_23 = arith.index_cast %get3A_22 : i32 to index
    %get3A_24 = arith.constant 16 : index
    %get3A_25 = tpu.vector_load %arg5[%get3A_23, %get3A_24] {strides = array<i32>} : memref<4x128xi32, #tpu.memory_space<vmem>>, vector<1x16xi32>,
    %get3A_26 = vector.shape_cast %get3A_25 : vector<1x16xi32> to vector<16xi32>
    %add3A_27 = arith.constant 0 : i32
    %add3A_28 = arith.addi %mul3A_2, %add3A_27 : i32
    %add3A_29 = arith.constant 16 : i32
    %add3A_30 = arith.addi %add3A_28, %add3A_29 : i32
    %add3A_31 = vector.broadcast %add3A_30 : i32 to vector<16xi32>
    %add3A_32 = arith.addi %iota3A, %add3A_31 : vector<16xi32>
    %mul3A_33 = arith.constant 1000 : i32
    %mul3A_34 = vector.broadcast %mul3A_33 : i32 to vector<16xi32>
    %mul3A_35 = arith.muli %add3A_32, %mul3A_34 : vector<16xi32>
    %add3A_36 = arith.addi %mul3A_35, %get3A_26 : vector<16xi32>
    %swap3A_37 = arith.constant 0 : i32
    %swap3A_38 = arith.index_cast %swap3A_37 : i32 to index
    %swap3A_39 = arith.constant 16 : index
    %swap3A_40 = tpu.vector_load %arg6[%swap3A_38, %swap3A_39] {strides = array<i32>} : memref<4x128xi32, #tpu.memory_space<vmem>>, vector<1x16xi32>,
    %swap3A_41 = vector.shape_cast %swap3A_40 : vector<1x16xi32> to vector<16xi32>
    %swap3A_42 = vector.shape_cast %add3A_36 : vector<16xi32> to vector<1x16xi32>
    tpu.vector_store %arg6[%swap3A_38, %swap3A_39], %swap3A_42 {strides = array<i32>} : memref<4x128xi32, #tpu.memory_space<vmem>>, vector<1x16xi32>,
    %get3A_43 = arith.constant 0 : i32
    %get3A_44 = arith.index_cast %get3A_43 : i32 to index
    %get3A_45 = arith.constant 32 : index
    %get3A_46 = tpu.vector_load %arg5[%get3A_44, %get3A_45] {strides = array<i32>} : memref<4x128xi32, #tpu.memory_space<vmem>>, vector<1x16xi32>,
    %get3A_47 = vector.shape_cast %get3A_46 : vector<1x16xi32> to vector<16xi32>
    %add3A_48 = arith.constant 0 : i32
    %add3A_49 = arith.addi %mul3A_2, %add3A_48 : i32
    %add3A_50 = arith.constant 32 : i32
    %add3A_51 = arith.addi %add3A_49, %add3A_50 : i32
    %add3A_52 = vector.broadcast %add3A_51 : i32 to vector<16xi32>
    %add3A_53 = arith.addi %iota3A, %add3A_52 : vector<16xi32>
    %mul3A_54 = arith.constant 1000 : i32
    %mul3A_55 = vector.broadcast %mul3A_54 : i32 to vector<16xi32>
    %mul3A_56 = arith.muli %add3A_53, %mul3A_55 : vector<16xi32>
    %add3A_57 = arith.addi %mul3A_56, %get3A_47 : vector<16xi32>
    %swap3A_58 = arith.constant 0 : i32
    %swap3A_59 = arith.index_cast %swap3A_58 : i32 to index
    %swap3A_60 = arith.constant 32 : index
    %swap3A_61 = tpu.vector_load %arg6[%swap3A_59, %swap3A_60] {strides = array<i32>} : memref<4x128xi32, #tpu.memory_space<vmem>>, vector<1x16xi32>,
    %swap3A_62 = vector.shape_cast %swap3A_61 : vector<1x16xi32> to vector<16xi32>
    %swap3A_63 = vector.shape_cast %add3A_57 : vector<16xi32> to vector<1x16xi32>
    tpu.vector_store %arg6[%swap3A_59, %swap3A_60], %swap3A_63 {strides = array<i32>} : memref<4x128xi32, #tpu.memory_space<vmem>>, vector<1x16xi32>,
    %get3A_64 = arith.constant 0 : i32
    %get3A_65 = arith.index_cast %get3A_64 : i32 to index
    %get3A_66 = arith.constant 48 : index
    %get3A_67 = tpu.vector_load %arg5[%get3A_65, %get3A_66] {strides = array<i32>} : memref<4x128xi32, #tpu.memory_space<vmem>>, vector<1x16xi32>,
    %get3A_68 = vector.shape_cast %get3A_67 : vector<1x16xi32> to vector<16xi32>
    %add3A_69 = arith.constant 0 : i32
    %add3A_70 = arith.addi %mul3A_2, %add3A_69 : i32
    %add3A_71 = arith.constant 48 : i32
    %add3A_72 = arith.addi %add3A_70, %add3A_71 : i32
    %add3A_73 = vector.broadcast %add3A_72 : i32 to vector<16xi32>
    %add3A_74 = arith.addi %iota3A, %add3A_73 : vector<16xi32>
    %mul3A_75 = arith.constant 1000 : i32
    %mul3A_76 = vector.broadcast %mul3A_75 : i32 to vector<16xi32>
    %mul3A_77 = arith.muli %add3A_74, %mul3A_76 : vector<16xi32>
    %add3A_78 = arith.addi %mul3A_77, %get3A_68 : vector<16xi32>
    %swap3A_79 = arith.constant 0 : i32
    %swap3A_80 = arith.index_cast %swap3A_79 : i32 to index
    %swap3A_81 = arith.constant 48 : index
    %swap3A_82 = tpu.vector_load %arg6[%swap3A_80, %swap3A_81] {strides = array<i32>} : memref<4x128xi32, #tpu.memory_space<vmem>>, vector<1x16xi32>,
    %swap3A_83 = vector.shape_cast %swap3A_82 : vector<1x16xi32> to vector<16xi32>
    %swap3A_84 = vector.shape_cast %add3A_78 : vector<16xi32> to vector<1x16xi32>
    tpu.vector_store %arg6[%swap3A_80, %swap3A_81], %swap3A_84 {strides = array<i32>} : memref<4x128xi32, #tpu.memory_space<vmem>>, vector<1x16xi32>,
    %get3A_85 = arith.constant 0 : i32
    %get3A_86 = arith.index_cast %get3A_85 : i32 to index
    %get3A_87 = arith.constant 64 : index
    %get3A_88 = tpu.vector_load %arg5[%get3A_86, %get3A_87] {strides = array<i32>} : memref<4x128xi32, #tpu.memory_space<vmem>>, vector<1x16xi32>,
    %get3A_89 = vector.shape_cast %get3A_88 : vector<1x16xi32> to vector<16xi32>
    %add3A_90 = arith.constant 0 : i32
    %add3A_91 = arith.addi %mul3A_2, %add3A_90 : i32
    %add3A_92 = arith.constant 64 : i32
    %add3A_93 = arith.addi %add3A_91, %add3A_92 : i32
    %add3A_94 = vector.broadcast %add3A_93 : i32 to vector<16xi32>
    %add3A_95 = arith.addi %iota3A, %add3A_94 : vector<16xi32>
    %mul3A_96 = arith.constant 1000 : i32
    %mul3A_97 = vector.broadcast %mul3A_96 : i32 to vector<16xi32>
    %mul3A_98 = arith.muli %add3A_95, %mul3A_97 : vector<16xi32>
    %add3A_99 = arith.addi %mul3A_98, %get3A_89 : vector<16xi32>
    %swap3A_100 = arith.constant 0 : i32
    %swap3A_101 = arith.index_cast %swap3A_100 : i32 to index
    %swap3A_102 = arith.constant 64 : index
    %swap3A_103 = tpu.vector_load %arg6[%swap3A_101, %swap3A_102] {strides = array<i32>} : memref<4x128xi32, #tpu.memory_space<vmem>>, vector<1x16xi32>,
    %swap3A_104 = vector.shape_cast %swap3A_103 : vector<1x16xi32> to vector<16xi32>
    %swap3A_105 = vector.shape_cast %add3A_99 : vector<16xi32> to vector<1x16xi32>
    tpu.vector_store %arg6[%swap3A_101, %swap3A_102], %swap3A_105 {strides = array<i32>} : memref<4x128xi32, #tpu.memory_space<vmem>>, vector<1x16xi32>,
    %get3A_106 = arith.constant 0 : i32
    %get3A_107 = arith.index_cast %get3A_106 : i32 to index
    %get3A_108 = arith.constant 80 : index
    %get3A_109 = tpu.vector_load %arg5[%get3A_107, %get3A_108] {strides = array<i32>} : memref<4x128xi32, #tpu.memory_space<vmem>>, vector<1x16xi32>,
    %get3A_110 = vector.shape_cast %get3A_109 : vector<1x16xi32> to vector<16xi32>
    %add3A_111 = arith.constant 0 : i32
    %add3A_112 = arith.addi %mul3A_2, %add3A_111 : i32
    %add3A_113 = arith.constant 80 : i32
    %add3A_114 = arith.addi %add3A_112, %add3A_113 : i32
    %add3A_115 = vector.broadcast %add3A_114 : i32 to vector<16xi32>
    %add3A_116 = arith.addi %iota3A, %add3A_115 : vector<16xi32>
    %mul3A_117 = arith.constant 1000 : i32
    %mul3A_118 = vector.broadcast %mul3A_117 : i32 to vector<16xi32>
    %mul3A_119 = arith.muli %add3A_116, %mul3A_118 : vector<16xi32>
    %add3A_120 = arith.addi %mul3A_119, %get3A_110 : vector<16xi32>
    %swap3A_121 = arith.constant 0 : i32
    %swap3A_122 = arith.index_cast %swap3A_121 : i32 to index
    %swap3A_123 = arith.constant 80 : index
    %swap3A_124 = tpu.vector_load %arg6[%swap3A_122, %swap3A_123] {strides = array<i32>} : memref<4x128xi32, #tpu.memory_space<vmem>>, vector<1x16xi32>,
    %swap3A_125 = vector.shape_cast %swap3A_124 : vector<1x16xi32> to vector<16xi32>
    %swap3A_126 = vector.shape_cast %add3A_120 : vector<16xi32> to vector<1x16xi32>
    tpu.vector_store %arg6[%swap3A_122, %swap3A_123], %swap3A_126 {strides = array<i32>} : memref<4x128xi32, #tpu.memory_space<vmem>>, vector<1x16xi32>,
    %get3A_127 = arith.constant 0 : i32
    %get3A_128 = arith.index_cast %get3A_127 : i32 to index
    %get3A_129 = arith.constant 96 : index
    %get3A_130 = tpu.vector_load %arg5[%get3A_128, %get3A_129] {strides = array<i32>} : memref<4x128xi32, #tpu.memory_space<vmem>>, vector<1x16xi32>,
    %get3A_131 = vector.shape_cast %get3A_130 : vector<1x16xi32> to vector<16xi32>
    %add3A_132 = arith.constant 0 : i32
    %add3A_133 = arith.addi %mul3A_2, %add3A_132 : i32
    %add3A_134 = arith.constant 96 : i32
    %add3A_135 = arith.addi %add3A_133, %add3A_134 : i32
    %add3A_136 = vector.broadcast %add3A_135 : i32 to vector<16xi32>
    %add3A_137 = arith.addi %iota3A, %add3A_136 : vector<16xi32>
    %mul3A_138 = arith.constant 1000 : i32
    %mul3A_139 = vector.broadcast %mul3A_138 : i32 to vector<16xi32>
    %mul3A_140 = arith.muli %add3A_137, %mul3A_139 : vector<16xi32>
    %add3A_141 = arith.addi %mul3A_140, %get3A_131 : vector<16xi32>
    %swap3A_142 = arith.constant 0 : i32
    %swap3A_143 = arith.index_cast %swap3A_142 : i32 to index
    %swap3A_144 = arith.constant 96 : index
    %swap3A_145 = tpu.vector_load %arg6[%swap3A_143, %swap3A_144] {strides = array<i32>} : memref<4x128xi32, #tpu.memory_space<vmem>>, vector<1x16xi32>,
    %swap3A_146 = vector.shape_cast %swap3A_145 : vector<1x16xi32> to vector<16xi32>
    %swap3A_147 = vector.shape_cast %add3A_141 : vector<16xi32> to vector<1x16xi32>
    tpu.vector_store %arg6[%swap3A_143, %swap3A_144], %swap3A_147 {strides = array<i32>} : memref<4x128xi32, #tpu.memory_space<vmem>>, vector<1x16xi32>,
    %get3A_148 = arith.constant 0 : i32
    %get3A_149 = arith.index_cast %get3A_148 : i32 to index
    %get3A_150 = arith.constant 112 : index
    %get3A_151 = tpu.vector_load %arg5[%get3A_149, %get3A_150] {strides = array<i32>} : memref<4x128xi32, #tpu.memory_space<vmem>>, vector<1x16xi32>,
    %get3A_152 = vector.shape_cast %get3A_151 : vector<1x16xi32> to vector<16xi32>
    %add3A_153 = arith.constant 0 : i32
    %add3A_154 = arith.addi %mul3A_2, %add3A_153 : i32
    %add3A_155 = arith.constant 112 : i32
    %add3A_156 = arith.addi %add3A_154, %add3A_155 : i32
    %add3A_157 = vector.broadcast %add3A_156 : i32 to vector<16xi32>
    %add3A_158 = arith.addi %iota3A, %add3A_157 : vector<16xi32>
    %mul3A_159 = arith.constant 1000 : i32
    %mul3A_160 = vector.broadcast %mul3A_159 : i32 to vector<16xi32>
    %mul3A_161 = arith.muli %add3A_158, %mul3A_160 : vector<16xi32>
    %add3A_162 = arith.addi %mul3A_161, %get3A_152 : vector<16xi32>
    %swap3A_163 = arith.constant 0 : i32
    %swap3A_164 = arith.index_cast %swap3A_163 : i32 to index
    %swap3A_165 = arith.constant 112 : index
    %swap3A_166 = tpu.vector_load %arg6[%swap3A_164, %swap3A_165] {strides = array<i32>} : memref<4x128xi32, #tpu.memory_space<vmem>>, vector<1x16xi32>,
    %swap3A_167 = vector.shape_cast %swap3A_166 : vector<1x16xi32> to vector<16xi32>
    %swap3A_168 = vector.shape_cast %add3A_162 : vector<16xi32> to vector<1x16xi32>
    tpu.vector_store %arg6[%swap3A_164, %swap3A_165], %swap3A_168 {strides = array<i32>} : memref<4x128xi32, #tpu.memory_space<vmem>>, vector<1x16xi32>,
    %get3A_169 = arith.constant 1 : i32
    %get3A_170 = arith.index_cast %get3A_169 : i32 to index
    %get3A_171 = arith.constant 0 : index
    %get3A_172 = tpu.vector_load %arg5[%get3A_170, %get3A_171] {strides = array<i32>} : memref<4x128xi32, #tpu.memory_space<vmem>>, vector<1x16xi32>,
    %get3A_173 = vector.shape_cast %get3A_172 : vector<1x16xi32> to vector<16xi32>
    %add3A_174 = arith.constant 128 : i32
    %add3A_175 = arith.addi %mul3A_2, %add3A_174 : i32
    %add3A_176 = arith.constant 0 : i32
    %add3A_177 = arith.addi %add3A_175, %add3A_176 : i32
    %add3A_178 = vector.broadcast %add3A_177 : i32 to vector<16xi32>
    %add3A_179 = arith.addi %iota3A, %add3A_178 : vector<16xi32>
    %mul3A_180 = arith.constant 1000 : i32
    %mul3A_181 = vector.broadcast %mul3A_180 : i32 to vector<16xi32>
    %mul3A_182 = arith.muli %add3A_179, %mul3A_181 : vector<16xi32>
    %add3A_183 = arith.addi %mul3A_182, %get3A_173 : vector<16xi32>
    %swap3A_184 = arith.constant 1 : i32
    %swap3A_185 = arith.index_cast %swap3A_184 : i32 to index
    %swap3A_186 = arith.constant 0 : index
    %swap3A_187 = tpu.vector_load %arg6[%swap3A_185, %swap3A_186] {strides = array<i32>} : memref<4x128xi32, #tpu.memory_space<vmem>>, vector<1x16xi32>,
    %swap3A_188 = vector.shape_cast %swap3A_187 : vector<1x16xi32> to vector<16xi32>
    %swap3A_189 = vector.shape_cast %add3A_183 : vector<16xi32> to vector<1x16xi32>
    tpu.vector_store %arg6[%swap3A_185, %swap3A_186], %swap3A_189 {strides = array<i32>} : memref<4x128xi32, #tpu.memory_space<vmem>>, vector<1x16xi32>,
    %get3A_190 = arith.constant 1 : i32
    %get3A_191 = arith.index_cast %get3A_190 : i32 to index
    %get3A_192 = arith.constant 16 : index
    %get3A_193 = tpu.vector_load %arg5[%get3A_191, %get3A_192] {strides = array<i32>} : memref<4x128xi32, #tpu.memory_space<vmem>>, vector<1x16xi32>,
    %get3A_194 = vector.shape_cast %get3A_193 : vector<1x16xi32> to vector<16xi32>
    %add3A_195 = arith.constant 128 : i32
    %add3A_196 = arith.addi %mul3A_2, %add3A_195 : i32
    %add3A_197 = arith.constant 16 : i32
    %add3A_198 = arith.addi %add3A_196, %add3A_197 : i32
    %add3A_199 = vector.broadcast %add3A_198 : i32 to vector<16xi32>
    %add3A_200 = arith.addi %iota3A, %add3A_199 : vector<16xi32>
    %mul3A_201 = arith.constant 1000 : i32
    %mul3A_202 = vector.broadcast %mul3A_201 : i32 to vector<16xi32>
    %mul3A_203 = arith.muli %add3A_200, %mul3A_202 : vector<16xi32>
    %add3A_204 = arith.addi %mul3A_203, %get3A_194 : vector<16xi32>
    %swap3A_205 = arith.constant 1 : i32
    %swap3A_206 = arith.index_cast %swap3A_205 : i32 to index
    %swap3A_207 = arith.constant 16 : index
    %swap3A_208 = tpu.vector_load %arg6[%swap3A_206, %swap3A_207] {strides = array<i32>} : memref<4x128xi32, #tpu.memory_space<vmem>>, vector<1x16xi32>,
    %swap3A_209 = vector.shape_cast %swap3A_208 : vector<1x16xi32> to vector<16xi32>
    %swap3A_210 = vector.shape_cast %add3A_204 : vector<16xi32> to vector<1x16xi32>
    tpu.vector_store %arg6[%swap3A_206, %swap3A_207], %swap3A_210 {strides = array<i32>} : memref<4x128xi32, #tpu.memory_space<vmem>>, vector<1x16xi32>,
    %get3A_211 = arith.constant 1 : i32
    %get3A_212 = arith.index_cast %get3A_211 : i32 to index
    %get3A_213 = arith.constant 32 : index
    %get3A_214 = tpu.vector_load %arg5[%get3A_212, %get3A_213] {strides = array<i32>} : memref<4x128xi32, #tpu.memory_space<vmem>>, vector<1x16xi32>,
    %get3A_215 = vector.shape_cast %get3A_214 : vector<1x16xi32> to vector<16xi32>
    %add3A_216 = arith.constant 128 : i32
    %add3A_217 = arith.addi %mul3A_2, %add3A_216 : i32
    %add3A_218 = arith.constant 32 : i32
    %add3A_219 = arith.addi %add3A_217, %add3A_218 : i32
    %add3A_220 = vector.broadcast %add3A_219 : i32 to vector<16xi32>
    %add3A_221 = arith.addi %iota3A, %add3A_220 : vector<16xi32>
    %mul3A_222 = arith.constant 1000 : i32
    %mul3A_223 = vector.broadcast %mul3A_222 : i32 to vector<16xi32>
    %mul3A_224 = arith.muli %add3A_221, %mul3A_223 : vector<16xi32>
    %add3A_225 = arith.addi %mul3A_224, %get3A_215 : vector<16xi32>
    %swap3A_226 = arith.constant 1 : i32
    %swap3A_227 = arith.index_cast %swap3A_226 : i32 to index
    %swap3A_228 = arith.constant 32 : index
    %swap3A_229 = tpu.vector_load %arg6[%swap3A_227, %swap3A_228] {strides = array<i32>} : memref<4x128xi32, #tpu.memory_space<vmem>>, vector<1x16xi32>,
    %swap3A_230 = vector.shape_cast %swap3A_229 : vector<1x16xi32> to vector<16xi32>
    %swap3A_231 = vector.shape_cast %add3A_225 : vector<16xi32> to vector<1x16xi32>
    tpu.vector_store %arg6[%swap3A_227, %swap3A_228], %swap3A_231 {strides = array<i32>} : memref<4x128xi32, #tpu.memory_space<vmem>>, vector<1x16xi32>,
    %get3A_232 = arith.constant 1 : i32
    %get3A_233 = arith.index_cast %get3A_232 : i32 to index
    %get3A_234 = arith.constant 48 : index
    %get3A_235 = tpu.vector_load %arg5[%get3A_233, %get3A_234] {strides = array<i32>} : memref<4x128xi32, #tpu.memory_space<vmem>>, vector<1x16xi32>,
    %get3A_236 = vector.shape_cast %get3A_235 : vector<1x16xi32> to vector<16xi32>
    %add3A_237 = arith.constant 128 : i32
    %add3A_238 = arith.addi %mul3A_2, %add3A_237 : i32
    %add3A_239 = arith.constant 48 : i32
    %add3A_240 = arith.addi %add3A_238, %add3A_239 : i32
    %add3A_241 = vector.broadcast %add3A_240 : i32 to vector<16xi32>
    %add3A_242 = arith.addi %iota3A, %add3A_241 : vector<16xi32>
    %mul3A_243 = arith.constant 1000 : i32
    %mul3A_244 = vector.broadcast %mul3A_243 : i32 to vector<16xi32>
    %mul3A_245 = arith.muli %add3A_242, %mul3A_244 : vector<16xi32>
    %add3A_246 = arith.addi %mul3A_245, %get3A_236 : vector<16xi32>
    %swap3A_247 = arith.constant 1 : i32
    %swap3A_248 = arith.index_cast %swap3A_247 : i32 to index
    %swap3A_249 = arith.constant 48 : index
    %swap3A_250 = tpu.vector_load %arg6[%swap3A_248, %swap3A_249] {strides = array<i32>} : memref<4x128xi32, #tpu.memory_space<vmem>>, vector<1x16xi32>,
    %swap3A_251 = vector.shape_cast %swap3A_250 : vector<1x16xi32> to vector<16xi32>
    %swap3A_252 = vector.shape_cast %add3A_246 : vector<16xi32> to vector<1x16xi32>
    tpu.vector_store %arg6[%swap3A_248, %swap3A_249], %swap3A_252 {strides = array<i32>} : memref<4x128xi32, #tpu.memory_space<vmem>>, vector<1x16xi32>,
    %get3A_253 = arith.constant 1 : i32
    %get3A_254 = arith.index_cast %get3A_253 : i32 to index
    %get3A_255 = arith.constant 64 : index
    %get3A_256 = tpu.vector_load %arg5[%get3A_254, %get3A_255] {strides = array<i32>} : memref<4x128xi32, #tpu.memory_space<vmem>>, vector<1x16xi32>,
    %get3A_257 = vector.shape_cast %get3A_256 : vector<1x16xi32> to vector<16xi32>
    %add3A_258 = arith.constant 128 : i32
    %add3A_259 = arith.addi %mul3A_2, %add3A_258 : i32
    %add3A_260 = arith.constant 64 : i32
    %add3A_261 = arith.addi %add3A_259, %add3A_260 : i32
    %add3A_262 = vector.broadcast %add3A_261 : i32 to vector<16xi32>
    %add3A_263 = arith.addi %iota3A, %add3A_262 : vector<16xi32>
    %mul3A_264 = arith.constant 1000 : i32
    %mul3A_265 = vector.broadcast %mul3A_264 : i32 to vector<16xi32>
    %mul3A_266 = arith.muli %add3A_263, %mul3A_265 : vector<16xi32>
    %add3A_267 = arith.addi %mul3A_266, %get3A_257 : vector<16xi32>
    %swap3A_268 = arith.constant 1 : i32
    %swap3A_269 = arith.index_cast %swap3A_268 : i32 to index
    %swap3A_270 = arith.constant 64 : index
    %swap3A_271 = tpu.vector_load %arg6[%swap3A_269, %swap3A_270] {strides = array<i32>} : memref<4x128xi32, #tpu.memory_space<vmem>>, vector<1x16xi32>,
    %swap3A_272 = vector.shape_cast %swap3A_271 : vector<1x16xi32> to vector<16xi32>
    %swap3A_273 = vector.shape_cast %add3A_267 : vector<16xi32> to vector<1x16xi32>
    tpu.vector_store %arg6[%swap3A_269, %swap3A_270], %swap3A_273 {strides = array<i32>} : memref<4x128xi32, #tpu.memory_space<vmem>>, vector<1x16xi32>,
    %get3A_274 = arith.constant 1 : i32
    %get3A_275 = arith.index_cast %get3A_274 : i32 to index
    %get3A_276 = arith.constant 80 : index
    %get3A_277 = tpu.vector_load %arg5[%get3A_275, %get3A_276] {strides = array<i32>} : memref<4x128xi32, #tpu.memory_space<vmem>>, vector<1x16xi32>,
    %get3A_278 = vector.shape_cast %get3A_277 : vector<1x16xi32> to vector<16xi32>
    %add3A_279 = arith.constant 128 : i32
    %add3A_280 = arith.addi %mul3A_2, %add3A_279 : i32
    %add3A_281 = arith.constant 80 : i32
    %add3A_282 = arith.addi %add3A_280, %add3A_281 : i32
    %add3A_283 = vector.broadcast %add3A_282 : i32 to vector<16xi32>
    %add3A_284 = arith.addi %iota3A, %add3A_283 : vector<16xi32>
    %mul3A_285 = arith.constant 1000 : i32
    %mul3A_286 = vector.broadcast %mul3A_285 : i32 to vector<16xi32>
    %mul3A_287 = arith.muli %add3A_284, %mul3A_286 : vector<16xi32>
    %add3A_288 = arith.addi %mul3A_287, %get3A_278 : vector<16xi32>
    %swap3A_289 = arith.constant 1 : i32
    %swap3A_290 = arith.index_cast %swap3A_289 : i32 to index
    %swap3A_291 = arith.constant 80 : index
    %swap3A_292 = tpu.vector_load %arg6[%swap3A_290, %swap3A_291] {strides = array<i32>} : memref<4x128xi32, #tpu.memory_space<vmem>>, vector<1x16xi32>,
    %swap3A_293 = vector.shape_cast %swap3A_292 : vector<1x16xi32> to vector<16xi32>
    %swap3A_294 = vector.shape_cast %add3A_288 : vector<16xi32> to vector<1x16xi32>
    tpu.vector_store %arg6[%swap3A_290, %swap3A_291], %swap3A_294 {strides = array<i32>} : memref<4x128xi32, #tpu.memory_space<vmem>>, vector<1x16xi32>,
    %get3A_295 = arith.constant 1 : i32
    %get3A_296 = arith.index_cast %get3A_295 : i32 to index
    %get3A_297 = arith.constant 96 : index
    %get3A_298 = tpu.vector_load %arg5[%get3A_296, %get3A_297] {strides = array<i32>} : memref<4x128xi32, #tpu.memory_space<vmem>>, vector<1x16xi32>,
    %get3A_299 = vector.shape_cast %get3A_298 : vector<1x16xi32> to vector<16xi32>
    %add3A_300 = arith.constant 128 : i32
    %add3A_301 = arith.addi %mul3A_2, %add3A_300 : i32
    %add3A_302 = arith.constant 96 : i32
    %add3A_303 = arith.addi %add3A_301, %add3A_302 : i32
    %add3A_304 = vector.broadcast %add3A_303 : i32 to vector<16xi32>
    %add3A_305 = arith.addi %iota3A, %add3A_304 : vector<16xi32>
    %mul3A_306 = arith.constant 1000 : i32
    %mul3A_307 = vector.broadcast %mul3A_306 : i32 to vector<16xi32>
    %mul3A_308 = arith.muli %add3A_305, %mul3A_307 : vector<16xi32>
    %add3A_309 = arith.addi %mul3A_308, %get3A_299 : vector<16xi32>
    %swap3A_310 = arith.constant 1 : i32
    %swap3A_311 = arith.index_cast %swap3A_310 : i32 to index
    %swap3A_312 = arith.constant 96 : index
    %swap3A_313 = tpu.vector_load %arg6[%swap3A_311, %swap3A_312] {strides = array<i32>} : memref<4x128xi32, #tpu.memory_space<vmem>>, vector<1x16xi32>,
    %swap3A_314 = vector.shape_cast %swap3A_313 : vector<1x16xi32> to vector<16xi32>
    %swap3A_315 = vector.shape_cast %add3A_309 : vector<16xi32> to vector<1x16xi32>
    tpu.vector_store %arg6[%swap3A_311, %swap3A_312], %swap3A_315 {strides = array<i32>} : memref<4x128xi32, #tpu.memory_space<vmem>>, vector<1x16xi32>,
    %get3A_316 = arith.constant 1 : i32
    %get3A_317 = arith.index_cast %get3A_316 : i32 to index
    %get3A_318 = arith.constant 112 : index
    %get3A_319 = tpu.vector_load %arg5[%get3A_317, %get3A_318] {strides = array<i32>} : memref<4x128xi32, #tpu.memory_space<vmem>>, vector<1x16xi32>,
    %get3A_320 = vector.shape_cast %get3A_319 : vector<1x16xi32> to vector<16xi32>
    %add3A_321 = arith.constant 128 : i32
    %add3A_322 = arith.addi %mul3A_2, %add3A_321 : i32
    %add3A_323 = arith.constant 112 : i32
    %add3A_324 = arith.addi %add3A_322, %add3A_323 : i32
    %add3A_325 = vector.broadcast %add3A_324 : i32 to vector<16xi32>
    %add3A_326 = arith.addi %iota3A, %add3A_325 : vector<16xi32>
    %mul3A_327 = arith.constant 1000 : i32
    %mul3A_328 = vector.broadcast %mul3A_327 : i32 to vector<16xi32>
    %mul3A_329 = arith.muli %add3A_326, %mul3A_328 : vector<16xi32>
    %add3A_330 = arith.addi %mul3A_329, %get3A_320 : vector<16xi32>
    %swap3A_331 = arith.constant 1 : i32
    %swap3A_332 = arith.index_cast %swap3A_331 : i32 to index
    %swap3A_333 = arith.constant 112 : index
    %swap3A_334 = tpu.vector_load %arg6[%swap3A_332, %swap3A_333] {strides = array<i32>} : memref<4x128xi32, #tpu.memory_space<vmem>>, vector<1x16xi32>,
    %swap3A_335 = vector.shape_cast %swap3A_334 : vector<1x16xi32> to vector<16xi32>
    %swap3A_336 = vector.shape_cast %add3A_330 : vector<16xi32> to vector<1x16xi32>
    tpu.vector_store %arg6[%swap3A_332, %swap3A_333], %swap3A_336 {strides = array<i32>} : memref<4x128xi32, #tpu.memory_space<vmem>>, vector<1x16xi32>,
    %get3A_337 = arith.constant 2 : i32
    %get3A_338 = arith.index_cast %get3A_337 : i32 to index
    %get3A_339 = arith.constant 0 : index
    %get3A_340 = tpu.vector_load %arg5[%get3A_338, %get3A_339] {strides = array<i32>} : memref<4x128xi32, #tpu.memory_space<vmem>>, vector<1x16xi32>,
    %get3A_341 = vector.shape_cast %get3A_340 : vector<1x16xi32> to vector<16xi32>
    %add3A_342 = arith.constant 256 : i32
    %add3A_343 = arith.addi %mul3A_2, %add3A_342 : i32
    %add3A_344 = arith.constant 0 : i32
    %add3A_345 = arith.addi %add3A_343, %add3A_344 : i32
    %add3A_346 = vector.broadcast %add3A_345 : i32 to vector<16xi32>
    %add3A_347 = arith.addi %iota3A, %add3A_346 : vector<16xi32>
    %mul3A_348 = arith.constant 1000 : i32
    %mul3A_349 = vector.broadcast %mul3A_348 : i32 to vector<16xi32>
    %mul3A_350 = arith.muli %add3A_347, %mul3A_349 : vector<16xi32>
    %add3A_351 = arith.addi %mul3A_350, %get3A_341 : vector<16xi32>
    %swap3A_352 = arith.constant 2 : i32
    %swap3A_353 = arith.index_cast %swap3A_352 : i32 to index
    %swap3A_354 = arith.constant 0 : index
    %swap3A_355 = tpu.vector_load %arg6[%swap3A_353, %swap3A_354] {strides = array<i32>} : memref<4x128xi32, #tpu.memory_space<vmem>>, vector<1x16xi32>,
    %swap3A_356 = vector.shape_cast %swap3A_355 : vector<1x16xi32> to vector<16xi32>
    %swap3A_357 = vector.shape_cast %add3A_351 : vector<16xi32> to vector<1x16xi32>
    tpu.vector_store %arg6[%swap3A_353, %swap3A_354], %swap3A_357 {strides = array<i32>} : memref<4x128xi32, #tpu.memory_space<vmem>>, vector<1x16xi32>,
    %get3A_358 = arith.constant 2 : i32
    %get3A_359 = arith.index_cast %get3A_358 : i32 to index
    %get3A_360 = arith.constant 16 : index
    %get3A_361 = tpu.vector_load %arg5[%get3A_359, %get3A_360] {strides = array<i32>} : memref<4x128xi32, #tpu.memory_space<vmem>>, vector<1x16xi32>,
    %get3A_362 = vector.shape_cast %get3A_361 : vector<1x16xi32> to vector<16xi32>
    %add3A_363 = arith.constant 256 : i32
    %add3A_364 = arith.addi %mul3A_2, %add3A_363 : i32
    %add3A_365 = arith.constant 16 : i32
    %add3A_366 = arith.addi %add3A_364, %add3A_365 : i32
    %add3A_367 = vector.broadcast %add3A_366 : i32 to vector<16xi32>
    %add3A_368 = arith.addi %iota3A, %add3A_367 : vector<16xi32>
    %mul3A_369 = arith.constant 1000 : i32
    %mul3A_370 = vector.broadcast %mul3A_369 : i32 to vector<16xi32>
    %mul3A_371 = arith.muli %add3A_368, %mul3A_370 : vector<16xi32>
    %add3A_372 = arith.addi %mul3A_371, %get3A_362 : vector<16xi32>
    %swap3A_373 = arith.constant 2 : i32
    %swap3A_374 = arith.index_cast %swap3A_373 : i32 to index
    %swap3A_375 = arith.constant 16 : index
    %swap3A_376 = tpu.vector_load %arg6[%swap3A_374, %swap3A_375] {strides = array<i32>} : memref<4x128xi32, #tpu.memory_space<vmem>>, vector<1x16xi32>,
    %swap3A_377 = vector.shape_cast %swap3A_376 : vector<1x16xi32> to vector<16xi32>
    %swap3A_378 = vector.shape_cast %add3A_372 : vector<16xi32> to vector<1x16xi32>
    tpu.vector_store %arg6[%swap3A_374, %swap3A_375], %swap3A_378 {strides = array<i32>} : memref<4x128xi32, #tpu.memory_space<vmem>>, vector<1x16xi32>,
    %get3A_379 = arith.constant 2 : i32
    %get3A_380 = arith.index_cast %get3A_379 : i32 to index
    %get3A_381 = arith.constant 32 : index
    %get3A_382 = tpu.vector_load %arg5[%get3A_380, %get3A_381] {strides = array<i32>} : memref<4x128xi32, #tpu.memory_space<vmem>>, vector<1x16xi32>,
    %get3A_383 = vector.shape_cast %get3A_382 : vector<1x16xi32> to vector<16xi32>
    %add3A_384 = arith.constant 256 : i32
    %add3A_385 = arith.addi %mul3A_2, %add3A_384 : i32
    %add3A_386 = arith.constant 32 : i32
    %add3A_387 = arith.addi %add3A_385, %add3A_386 : i32
    %add3A_388 = vector.broadcast %add3A_387 : i32 to vector<16xi32>
    %add3A_389 = arith.addi %iota3A, %add3A_388 : vector<16xi32>
    %mul3A_390 = arith.constant 1000 : i32
    %mul3A_391 = vector.broadcast %mul3A_390 : i32 to vector<16xi32>
    %mul3A_392 = arith.muli %add3A_389, %mul3A_391 : vector<16xi32>
    %add3A_393 = arith.addi %mul3A_392, %get3A_383 : vector<16xi32>
    %swap3A_394 = arith.constant 2 : i32
    %swap3A_395 = arith.index_cast %swap3A_394 : i32 to index
    %swap3A_396 = arith.constant 32 : index
    %swap3A_397 = tpu.vector_load %arg6[%swap3A_395, %swap3A_396] {strides = array<i32>} : memref<4x128xi32, #tpu.memory_space<vmem>>, vector<1x16xi32>,
    %swap3A_398 = vector.shape_cast %swap3A_397 : vector<1x16xi32> to vector<16xi32>
    %swap3A_399 = vector.shape_cast %add3A_393 : vector<16xi32> to vector<1x16xi32>
    tpu.vector_store %arg6[%swap3A_395, %swap3A_396], %swap3A_399 {strides = array<i32>} : memref<4x128xi32, #tpu.memory_space<vmem>>, vector<1x16xi32>,
    %get3A_400 = arith.constant 2 : i32
    %get3A_401 = arith.index_cast %get3A_400 : i32 to index
    %get3A_402 = arith.constant 48 : index
    %get3A_403 = tpu.vector_load %arg5[%get3A_401, %get3A_402] {strides = array<i32>} : memref<4x128xi32, #tpu.memory_space<vmem>>, vector<1x16xi32>,
    %get3A_404 = vector.shape_cast %get3A_403 : vector<1x16xi32> to vector<16xi32>
    %add3A_405 = arith.constant 256 : i32
    %add3A_406 = arith.addi %mul3A_2, %add3A_405 : i32
    %add3A_407 = arith.constant 48 : i32
    %add3A_408 = arith.addi %add3A_406, %add3A_407 : i32
    %add3A_409 = vector.broadcast %add3A_408 : i32 to vector<16xi32>
    %add3A_410 = arith.addi %iota3A, %add3A_409 : vector<16xi32>
    %mul3A_411 = arith.constant 1000 : i32
    %mul3A_412 = vector.broadcast %mul3A_411 : i32 to vector<16xi32>
    %mul3A_413 = arith.muli %add3A_410, %mul3A_412 : vector<16xi32>
    %add3A_414 = arith.addi %mul3A_413, %get3A_404 : vector<16xi32>
    %swap3A_415 = arith.constant 2 : i32
    %swap3A_416 = arith.index_cast %swap3A_415 : i32 to index
    %swap3A_417 = arith.constant 48 : index
    %swap3A_418 = tpu.vector_load %arg6[%swap3A_416, %swap3A_417] {strides = array<i32>} : memref<4x128xi32, #tpu.memory_space<vmem>>, vector<1x16xi32>,
    %swap3A_419 = vector.shape_cast %swap3A_418 : vector<1x16xi32> to vector<16xi32>
    %swap3A_420 = vector.shape_cast %add3A_414 : vector<16xi32> to vector<1x16xi32>
    tpu.vector_store %arg6[%swap3A_416, %swap3A_417], %swap3A_420 {strides = array<i32>} : memref<4x128xi32, #tpu.memory_space<vmem>>, vector<1x16xi32>,
    %get3A_421 = arith.constant 2 : i32
    %get3A_422 = arith.index_cast %get3A_421 : i32 to index
    %get3A_423 = arith.constant 64 : index
    %get3A_424 = tpu.vector_load %arg5[%get3A_422, %get3A_423] {strides = array<i32>} : memref<4x128xi32, #tpu.memory_space<vmem>>, vector<1x16xi32>,
    %get3A_425 = vector.shape_cast %get3A_424 : vector<1x16xi32> to vector<16xi32>
    %add3A_426 = arith.constant 256 : i32
    %add3A_427 = arith.addi %mul3A_2, %add3A_426 : i32
    %add3A_428 = arith.constant 64 : i32
    %add3A_429 = arith.addi %add3A_427, %add3A_428 : i32
    %add3A_430 = vector.broadcast %add3A_429 : i32 to vector<16xi32>
    %add3A_431 = arith.addi %iota3A, %add3A_430 : vector<16xi32>
    %mul3A_432 = arith.constant 1000 : i32
    %mul3A_433 = vector.broadcast %mul3A_432 : i32 to vector<16xi32>
    %mul3A_434 = arith.muli %add3A_431, %mul3A_433 : vector<16xi32>
    %add3A_435 = arith.addi %mul3A_434, %get3A_425 : vector<16xi32>
    %swap3A_436 = arith.constant 2 : i32
    %swap3A_437 = arith.index_cast %swap3A_436 : i32 to index
    %swap3A_438 = arith.constant 64 : index
    %swap3A_439 = tpu.vector_load %arg6[%swap3A_437, %swap3A_438] {strides = array<i32>} : memref<4x128xi32, #tpu.memory_space<vmem>>, vector<1x16xi32>,
    %swap3A_440 = vector.shape_cast %swap3A_439 : vector<1x16xi32> to vector<16xi32>
    %swap3A_441 = vector.shape_cast %add3A_435 : vector<16xi32> to vector<1x16xi32>
    tpu.vector_store %arg6[%swap3A_437, %swap3A_438], %swap3A_441 {strides = array<i32>} : memref<4x128xi32, #tpu.memory_space<vmem>>, vector<1x16xi32>,
    %get3A_442 = arith.constant 2 : i32
    %get3A_443 = arith.index_cast %get3A_442 : i32 to index
    %get3A_444 = arith.constant 80 : index
    %get3A_445 = tpu.vector_load %arg5[%get3A_443, %get3A_444] {strides = array<i32>} : memref<4x128xi32, #tpu.memory_space<vmem>>, vector<1x16xi32>,
    %get3A_446 = vector.shape_cast %get3A_445 : vector<1x16xi32> to vector<16xi32>
    %add3A_447 = arith.constant 256 : i32
    %add3A_448 = arith.addi %mul3A_2, %add3A_447 : i32
    %add3A_449 = arith.constant 80 : i32
    %add3A_450 = arith.addi %add3A_448, %add3A_449 : i32
    %add3A_451 = vector.broadcast %add3A_450 : i32 to vector<16xi32>
    %add3A_452 = arith.addi %iota3A, %add3A_451 : vector<16xi32>
    %mul3A_453 = arith.constant 1000 : i32
    %mul3A_454 = vector.broadcast %mul3A_453 : i32 to vector<16xi32>
    %mul3A_455 = arith.muli %add3A_452, %mul3A_454 : vector<16xi32>
    %add3A_456 = arith.addi %mul3A_455, %get3A_446 : vector<16xi32>
    %swap3A_457 = arith.constant 2 : i32
    %swap3A_458 = arith.index_cast %swap3A_457 : i32 to index
    %swap3A_459 = arith.constant 80 : index
    %swap3A_460 = tpu.vector_load %arg6[%swap3A_458, %swap3A_459] {strides = array<i32>} : memref<4x128xi32, #tpu.memory_space<vmem>>, vector<1x16xi32>,
    %swap3A_461 = vector.shape_cast %swap3A_460 : vector<1x16xi32> to vector<16xi32>
    %swap3A_462 = vector.shape_cast %add3A_456 : vector<16xi32> to vector<1x16xi32>
    tpu.vector_store %arg6[%swap3A_458, %swap3A_459], %swap3A_462 {strides = array<i32>} : memref<4x128xi32, #tpu.memory_space<vmem>>, vector<1x16xi32>,
    %get3A_463 = arith.constant 2 : i32
    %get3A_464 = arith.index_cast %get3A_463 : i32 to index
    %get3A_465 = arith.constant 96 : index
    %get3A_466 = tpu.vector_load %arg5[%get3A_464, %get3A_465] {strides = array<i32>} : memref<4x128xi32, #tpu.memory_space<vmem>>, vector<1x16xi32>,
    %get3A_467 = vector.shape_cast %get3A_466 : vector<1x16xi32> to vector<16xi32>
    %add3A_468 = arith.constant 256 : i32
    %add3A_469 = arith.addi %mul3A_2, %add3A_468 : i32
    %add3A_470 = arith.constant 96 : i32
    %add3A_471 = arith.addi %add3A_469, %add3A_470 : i32
    %add3A_472 = vector.broadcast %add3A_471 : i32 to vector<16xi32>
    %add3A_473 = arith.addi %iota3A, %add3A_472 : vector<16xi32>
    %mul3A_474 = arith.constant 1000 : i32
    %mul3A_475 = vector.broadcast %mul3A_474 : i32 to vector<16xi32>
    %mul3A_476 = arith.muli %add3A_473, %mul3A_475 : vector<16xi32>
    %add3A_477 = arith.addi %mul3A_476, %get3A_467 : vector<16xi32>
    %swap3A_478 = arith.constant 2 : i32
    %swap3A_479 = arith.index_cast %swap3A_478 : i32 to index
    %swap3A_480 = arith.constant 96 : index
    %swap3A_481 = tpu.vector_load %arg6[%swap3A_479, %swap3A_480] {strides = array<i32>} : memref<4x128xi32, #tpu.memory_space<vmem>>, vector<1x16xi32>,
    %swap3A_482 = vector.shape_cast %swap3A_481 : vector<1x16xi32> to vector<16xi32>
    %swap3A_483 = vector.shape_cast %add3A_477 : vector<16xi32> to vector<1x16xi32>
    tpu.vector_store %arg6[%swap3A_479, %swap3A_480], %swap3A_483 {strides = array<i32>} : memref<4x128xi32, #tpu.memory_space<vmem>>, vector<1x16xi32>,
    %get3A_484 = arith.constant 2 : i32
    %get3A_485 = arith.index_cast %get3A_484 : i32 to index
    %get3A_486 = arith.constant 112 : index
    %get3A_487 = tpu.vector_load %arg5[%get3A_485, %get3A_486] {strides = array<i32>} : memref<4x128xi32, #tpu.memory_space<vmem>>, vector<1x16xi32>,
    %get3A_488 = vector.shape_cast %get3A_487 : vector<1x16xi32> to vector<16xi32>
    %add3A_489 = arith.constant 256 : i32
    %add3A_490 = arith.addi %mul3A_2, %add3A_489 : i32
    %add3A_491 = arith.constant 112 : i32
    %add3A_492 = arith.addi %add3A_490, %add3A_491 : i32
    %add3A_493 = vector.broadcast %add3A_492 : i32 to vector<16xi32>
    %add3A_494 = arith.addi %iota3A, %add3A_493 : vector<16xi32>
    %mul3A_495 = arith.constant 1000 : i32
    %mul3A_496 = vector.broadcast %mul3A_495 : i32 to vector<16xi32>
    %mul3A_497 = arith.muli %add3A_494, %mul3A_496 : vector<16xi32>
    %add3A_498 = arith.addi %mul3A_497, %get3A_488 : vector<16xi32>
    %swap3A_499 = arith.constant 2 : i32
    %swap3A_500 = arith.index_cast %swap3A_499 : i32 to index
    %swap3A_501 = arith.constant 112 : index
    %swap3A_502 = tpu.vector_load %arg6[%swap3A_500, %swap3A_501] {strides = array<i32>} : memref<4x128xi32, #tpu.memory_space<vmem>>, vector<1x16xi32>,
    %swap3A_503 = vector.shape_cast %swap3A_502 : vector<1x16xi32> to vector<16xi32>
    %swap3A_504 = vector.shape_cast %add3A_498 : vector<16xi32> to vector<1x16xi32>
    tpu.vector_store %arg6[%swap3A_500, %swap3A_501], %swap3A_504 {strides = array<i32>} : memref<4x128xi32, #tpu.memory_space<vmem>>, vector<1x16xi32>,
    %get3A_505 = arith.constant 3 : i32
    %get3A_506 = arith.index_cast %get3A_505 : i32 to index
    %get3A_507 = arith.constant 0 : index
    %get3A_508 = tpu.vector_load %arg5[%get3A_506, %get3A_507] {strides = array<i32>} : memref<4x128xi32, #tpu.memory_space<vmem>>, vector<1x16xi32>,
    %get3A_509 = vector.shape_cast %get3A_508 : vector<1x16xi32> to vector<16xi32>
    %add3A_510 = arith.constant 384 : i32
    %add3A_511 = arith.addi %mul3A_2, %add3A_510 : i32
    %add3A_512 = arith.constant 0 : i32
    %add3A_513 = arith.addi %add3A_511, %add3A_512 : i32
    %add3A_514 = vector.broadcast %add3A_513 : i32 to vector<16xi32>
    %add3A_515 = arith.addi %iota3A, %add3A_514 : vector<16xi32>
    %mul3A_516 = arith.constant 1000 : i32
    %mul3A_517 = vector.broadcast %mul3A_516 : i32 to vector<16xi32>
    %mul3A_518 = arith.muli %add3A_515, %mul3A_517 : vector<16xi32>
    %add3A_519 = arith.addi %mul3A_518, %get3A_509 : vector<16xi32>
    %swap3A_520 = arith.constant 3 : i32
    %swap3A_521 = arith.index_cast %swap3A_520 : i32 to index
    %swap3A_522 = arith.constant 0 : index
    %swap3A_523 = tpu.vector_load %arg6[%swap3A_521, %swap3A_522] {strides = array<i32>} : memref<4x128xi32, #tpu.memory_space<vmem>>, vector<1x16xi32>,
    %swap3A_524 = vector.shape_cast %swap3A_523 : vector<1x16xi32> to vector<16xi32>
    %swap3A_525 = vector.shape_cast %add3A_519 : vector<16xi32> to vector<1x16xi32>
    tpu.vector_store %arg6[%swap3A_521, %swap3A_522], %swap3A_525 {strides = array<i32>} : memref<4x128xi32, #tpu.memory_space<vmem>>, vector<1x16xi32>,
    %get3A_526 = arith.constant 3 : i32
    %get3A_527 = arith.index_cast %get3A_526 : i32 to index
    %get3A_528 = arith.constant 16 : index
    %get3A_529 = tpu.vector_load %arg5[%get3A_527, %get3A_528] {strides = array<i32>} : memref<4x128xi32, #tpu.memory_space<vmem>>, vector<1x16xi32>,
    %get3A_530 = vector.shape_cast %get3A_529 : vector<1x16xi32> to vector<16xi32>
    %add3A_531 = arith.constant 384 : i32
    %add3A_532 = arith.addi %mul3A_2, %add3A_531 : i32
    %add3A_533 = arith.constant 16 : i32
    %add3A_534 = arith.addi %add3A_532, %add3A_533 : i32
    %add3A_535 = vector.broadcast %add3A_534 : i32 to vector<16xi32>
    %add3A_536 = arith.addi %iota3A, %add3A_535 : vector<16xi32>
    %mul3A_537 = arith.constant 1000 : i32
    %mul3A_538 = vector.broadcast %mul3A_537 : i32 to vector<16xi32>
    %mul3A_539 = arith.muli %add3A_536, %mul3A_538 : vector<16xi32>
    %add3A_540 = arith.addi %mul3A_539, %get3A_530 : vector<16xi32>
    %swap3A_541 = arith.constant 3 : i32
    %swap3A_542 = arith.index_cast %swap3A_541 : i32 to index
    %swap3A_543 = arith.constant 16 : index
    %swap3A_544 = tpu.vector_load %arg6[%swap3A_542, %swap3A_543] {strides = array<i32>} : memref<4x128xi32, #tpu.memory_space<vmem>>, vector<1x16xi32>,
    %swap3A_545 = vector.shape_cast %swap3A_544 : vector<1x16xi32> to vector<16xi32>
    %swap3A_546 = vector.shape_cast %add3A_540 : vector<16xi32> to vector<1x16xi32>
    tpu.vector_store %arg6[%swap3A_542, %swap3A_543], %swap3A_546 {strides = array<i32>} : memref<4x128xi32, #tpu.memory_space<vmem>>, vector<1x16xi32>,
    %get3A_547 = arith.constant 3 : i32
    %get3A_548 = arith.index_cast %get3A_547 : i32 to index
    %get3A_549 = arith.constant 32 : index
    %get3A_550 = tpu.vector_load %arg5[%get3A_548, %get3A_549] {strides = array<i32>} : memref<4x128xi32, #tpu.memory_space<vmem>>, vector<1x16xi32>,
    %get3A_551 = vector.shape_cast %get3A_550 : vector<1x16xi32> to vector<16xi32>
    %add3A_552 = arith.constant 384 : i32
    %add3A_553 = arith.addi %mul3A_2, %add3A_552 : i32
    %add3A_554 = arith.constant 32 : i32
    %add3A_555 = arith.addi %add3A_553, %add3A_554 : i32
    %add3A_556 = vector.broadcast %add3A_555 : i32 to vector<16xi32>
    %add3A_557 = arith.addi %iota3A, %add3A_556 : vector<16xi32>
    %mul3A_558 = arith.constant 1000 : i32
    %mul3A_559 = vector.broadcast %mul3A_558 : i32 to vector<16xi32>
    %mul3A_560 = arith.muli %add3A_557, %mul3A_559 : vector<16xi32>
    %add3A_561 = arith.addi %mul3A_560, %get3A_551 : vector<16xi32>
    %swap3A_562 = arith.constant 3 : i32
    %swap3A_563 = arith.index_cast %swap3A_562 : i32 to index
    %swap3A_564 = arith.constant 32 : index
    %swap3A_565 = tpu.vector_load %arg6[%swap3A_563, %swap3A_564] {strides = array<i32>} : memref<4x128xi32, #tpu.memory_space<vmem>>, vector<1x16xi32>,
    %swap3A_566 = vector.shape_cast %swap3A_565 : vector<1x16xi32> to vector<16xi32>
    %swap3A_567 = vector.shape_cast %add3A_561 : vector<16xi32> to vector<1x16xi32>
    tpu.vector_store %arg6[%swap3A_563, %swap3A_564], %swap3A_567 {strides = array<i32>} : memref<4x128xi32, #tpu.memory_space<vmem>>, vector<1x16xi32>,
    %get3A_568 = arith.constant 3 : i32
    %get3A_569 = arith.index_cast %get3A_568 : i32 to index
    %get3A_570 = arith.constant 48 : index
    %get3A_571 = tpu.vector_load %arg5[%get3A_569, %get3A_570] {strides = array<i32>} : memref<4x128xi32, #tpu.memory_space<vmem>>, vector<1x16xi32>,
    %get3A_572 = vector.shape_cast %get3A_571 : vector<1x16xi32> to vector<16xi32>
    %add3A_573 = arith.constant 384 : i32
    %add3A_574 = arith.addi %mul3A_2, %add3A_573 : i32
    %add3A_575 = arith.constant 48 : i32
    %add3A_576 = arith.addi %add3A_574, %add3A_575 : i32
    %add3A_577 = vector.broadcast %add3A_576 : i32 to vector<16xi32>
    %add3A_578 = arith.addi %iota3A, %add3A_577 : vector<16xi32>
    %mul3A_579 = arith.constant 1000 : i32
    %mul3A_580 = vector.broadcast %mul3A_579 : i32 to vector<16xi32>
    %mul3A_581 = arith.muli %add3A_578, %mul3A_580 : vector<16xi32>
    %add3A_582 = arith.addi %mul3A_581, %get3A_572 : vector<16xi32>
    %swap3A_583 = arith.constant 3 : i32
    %swap3A_584 = arith.index_cast %swap3A_583 : i32 to index
    %swap3A_585 = arith.constant 48 : index
    %swap3A_586 = tpu.vector_load %arg6[%swap3A_584, %swap3A_585] {strides = array<i32>} : memref<4x128xi32, #tpu.memory_space<vmem>>, vector<1x16xi32>,
    %swap3A_587 = vector.shape_cast %swap3A_586 : vector<1x16xi32> to vector<16xi32>
    %swap3A_588 = vector.shape_cast %add3A_582 : vector<16xi32> to vector<1x16xi32>
    tpu.vector_store %arg6[%swap3A_584, %swap3A_585], %swap3A_588 {strides = array<i32>} : memref<4x128xi32, #tpu.memory_space<vmem>>, vector<1x16xi32>,
    %get3A_589 = arith.constant 3 : i32
    %get3A_590 = arith.index_cast %get3A_589 : i32 to index
    %get3A_591 = arith.constant 64 : index
    %get3A_592 = tpu.vector_load %arg5[%get3A_590, %get3A_591] {strides = array<i32>} : memref<4x128xi32, #tpu.memory_space<vmem>>, vector<1x16xi32>,
    %get3A_593 = vector.shape_cast %get3A_592 : vector<1x16xi32> to vector<16xi32>
    %add3A_594 = arith.constant 384 : i32
    %add3A_595 = arith.addi %mul3A_2, %add3A_594 : i32
    %add3A_596 = arith.constant 64 : i32
    %add3A_597 = arith.addi %add3A_595, %add3A_596 : i32
    %add3A_598 = vector.broadcast %add3A_597 : i32 to vector<16xi32>
    %add3A_599 = arith.addi %iota3A, %add3A_598 : vector<16xi32>
    %mul3A_600 = arith.constant 1000 : i32
    %mul3A_601 = vector.broadcast %mul3A_600 : i32 to vector<16xi32>
    %mul3A_602 = arith.muli %add3A_599, %mul3A_601 : vector<16xi32>
    %add3A_603 = arith.addi %mul3A_602, %get3A_593 : vector<16xi32>
    %swap3A_604 = arith.constant 3 : i32
    %swap3A_605 = arith.index_cast %swap3A_604 : i32 to index
    %swap3A_606 = arith.constant 64 : index
    %swap3A_607 = tpu.vector_load %arg6[%swap3A_605, %swap3A_606] {strides = array<i32>} : memref<4x128xi32, #tpu.memory_space<vmem>>, vector<1x16xi32>,
    %swap3A_608 = vector.shape_cast %swap3A_607 : vector<1x16xi32> to vector<16xi32>
    %swap3A_609 = vector.shape_cast %add3A_603 : vector<16xi32> to vector<1x16xi32>
    tpu.vector_store %arg6[%swap3A_605, %swap3A_606], %swap3A_609 {strides = array<i32>} : memref<4x128xi32, #tpu.memory_space<vmem>>, vector<1x16xi32>,
    %get3A_610 = arith.constant 3 : i32
    %get3A_611 = arith.index_cast %get3A_610 : i32 to index
    %get3A_612 = arith.constant 80 : index
    %get3A_613 = tpu.vector_load %arg5[%get3A_611, %get3A_612] {strides = array<i32>} : memref<4x128xi32, #tpu.memory_space<vmem>>, vector<1x16xi32>,
    %get3A_614 = vector.shape_cast %get3A_613 : vector<1x16xi32> to vector<16xi32>
    %add3A_615 = arith.constant 384 : i32
    %add3A_616 = arith.addi %mul3A_2, %add3A_615 : i32
    %add3A_617 = arith.constant 80 : i32
    %add3A_618 = arith.addi %add3A_616, %add3A_617 : i32
    %add3A_619 = vector.broadcast %add3A_618 : i32 to vector<16xi32>
    %add3A_620 = arith.addi %iota3A, %add3A_619 : vector<16xi32>
    %mul3A_621 = arith.constant 1000 : i32
    %mul3A_622 = vector.broadcast %mul3A_621 : i32 to vector<16xi32>
    %mul3A_623 = arith.muli %add3A_620, %mul3A_622 : vector<16xi32>
    %add3A_624 = arith.addi %mul3A_623, %get3A_614 : vector<16xi32>
    %swap3A_625 = arith.constant 3 : i32
    %swap3A_626 = arith.index_cast %swap3A_625 : i32 to index
    %swap3A_627 = arith.constant 80 : index
    %swap3A_628 = tpu.vector_load %arg6[%swap3A_626, %swap3A_627] {strides = array<i32>} : memref<4x128xi32, #tpu.memory_space<vmem>>, vector<1x16xi32>,
    %swap3A_629 = vector.shape_cast %swap3A_628 : vector<1x16xi32> to vector<16xi32>
    %swap3A_630 = vector.shape_cast %add3A_624 : vector<16xi32> to vector<1x16xi32>
    tpu.vector_store %arg6[%swap3A_626, %swap3A_627], %swap3A_630 {strides = array<i32>} : memref<4x128xi32, #tpu.memory_space<vmem>>, vector<1x16xi32>,
    %get3A_631 = arith.constant 3 : i32
    %get3A_632 = arith.index_cast %get3A_631 : i32 to index
    %get3A_633 = arith.constant 96 : index
    %get3A_634 = tpu.vector_load %arg5[%get3A_632, %get3A_633] {strides = array<i32>} : memref<4x128xi32, #tpu.memory_space<vmem>>, vector<1x16xi32>,
    %get3A_635 = vector.shape_cast %get3A_634 : vector<1x16xi32> to vector<16xi32>
    %add3A_636 = arith.constant 384 : i32
    %add3A_637 = arith.addi %mul3A_2, %add3A_636 : i32
    %add3A_638 = arith.constant 96 : i32
    %add3A_639 = arith.addi %add3A_637, %add3A_638 : i32
    %add3A_640 = vector.broadcast %add3A_639 : i32 to vector<16xi32>
    %add3A_641 = arith.addi %iota3A, %add3A_640 : vector<16xi32>
    %mul3A_642 = arith.constant 1000 : i32
    %mul3A_643 = vector.broadcast %mul3A_642 : i32 to vector<16xi32>
    %mul3A_644 = arith.muli %add3A_641, %mul3A_643 : vector<16xi32>
    %add3A_645 = arith.addi %mul3A_644, %get3A_635 : vector<16xi32>
    %swap3A_646 = arith.constant 3 : i32
    %swap3A_647 = arith.index_cast %swap3A_646 : i32 to index
    %swap3A_648 = arith.constant 96 : index
    %swap3A_649 = tpu.vector_load %arg6[%swap3A_647, %swap3A_648] {strides = array<i32>} : memref<4x128xi32, #tpu.memory_space<vmem>>, vector<1x16xi32>,
    %swap3A_650 = vector.shape_cast %swap3A_649 : vector<1x16xi32> to vector<16xi32>
    %swap3A_651 = vector.shape_cast %add3A_645 : vector<16xi32> to vector<1x16xi32>
    tpu.vector_store %arg6[%swap3A_647, %swap3A_648], %swap3A_651 {strides = array<i32>} : memref<4x128xi32, #tpu.memory_space<vmem>>, vector<1x16xi32>,
    %get3A_652 = arith.constant 3 : i32
    %get3A_653 = arith.index_cast %get3A_652 : i32 to index
    %get3A_654 = arith.constant 112 : index
    %get3A_655 = tpu.vector_load %arg5[%get3A_653, %get3A_654] {strides = array<i32>} : memref<4x128xi32, #tpu.memory_space<vmem>>, vector<1x16xi32>,
    %get3A_656 = vector.shape_cast %get3A_655 : vector<1x16xi32> to vector<16xi32>
    %add3A_657 = arith.constant 384 : i32
    %add3A_658 = arith.addi %mul3A_2, %add3A_657 : i32
    %add3A_659 = arith.constant 112 : i32
    %add3A_660 = arith.addi %add3A_658, %add3A_659 : i32
    %add3A_661 = vector.broadcast %add3A_660 : i32 to vector<16xi32>
    %add3A_662 = arith.addi %iota3A, %add3A_661 : vector<16xi32>
    %mul3A_663 = arith.constant 1000 : i32
    %mul3A_664 = vector.broadcast %mul3A_663 : i32 to vector<16xi32>
    %mul3A_665 = arith.muli %add3A_662, %mul3A_664 : vector<16xi32>
    %add3A_666 = arith.addi %mul3A_665, %get3A_656 : vector<16xi32>
    %swap3A_667 = arith.constant 3 : i32
    %swap3A_668 = arith.index_cast %swap3A_667 : i32 to index
    %swap3A_669 = arith.constant 112 : index
    %swap3A_670 = tpu.vector_load %arg6[%swap3A_668, %swap3A_669] {strides = array<i32>} : memref<4x128xi32, #tpu.memory_space<vmem>>, vector<1x16xi32>,
    %swap3A_671 = vector.shape_cast %swap3A_670 : vector<1x16xi32> to vector<16xi32>
    %swap3A_672 = vector.shape_cast %add3A_666 : vector<16xi32> to vector<1x16xi32>
    tpu.vector_store %arg6[%swap3A_668, %swap3A_669], %swap3A_672 {strides = array<i32>} : memref<4x128xi32, #tpu.memory_space<vmem>>, vector<1x16xi32>,
    %dma_start3A = arith.constant 0 : i32
    %dma_start3A_673 = arith.constant 0 : i32
    %dma_start3A_674 = arith.constant 0 : i32
    %dma_start3A_675 = tpu.memref_slice %arg7[%dma_start3A_673, %dma_start3A_674] : memref<4x128xf32, #tpu.memory_space<vmem>> -> memref<1x128xf32, #tpu.memory_space<vmem>>
    %dma_start3A_676 = tpu.memref_squeeze %dma_start3A_675 : memref<1x128xf32, #tpu.memory_space<vmem>> -> memref<128xf32, #tpu.memory_space<vmem>>
    %dma_start3A_677 = arith.constant 0 : i32
    %dma_start3A_678 = tpu.memref_slice %arg6[%dma_start3A, %dma_start3A_677] : memref<4x128xi32, #tpu.memory_space<vmem>> -> memref<1x128xi32, #tpu.memory_space<vmem>>
    %dma_start3A_679 = tpu.memref_squeeze %dma_start3A_678 : memref<1x128xi32, #tpu.memory_space<vmem>> -> memref<128xi32, #tpu.memory_space<vmem>>
    %dma_start3A_680 = arith.constant 0 : i32
    %dma_start3A_681 = tpu.memref_slice %arg2[%dma_start3A_680] : memref<16384000xf32, #tpu.memory_space<hbm>> -> memref<16384000xf32, #tpu.memory_space<hbm>>
    tpu.enqueue_indirect_dma source(%dma_start3A_681 : memref<16384000xf32, #tpu.memory_space<hbm>>) target(%dma_start3A_676 : memref<128xf32, #tpu.memory_space<vmem>>) offsets(%dma_start3A_679 : memref<128xi32, #tpu.memory_space<vmem>>) semaphore(%arg8 : memref<!tpu.dma_semaphore, #tpu.memory_space<semaphore_mem>>)
    %dma_start3A_682 = arith.constant 1 : i32
    %dma_start3A_683 = arith.constant 1 : i32
    %dma_start3A_684 = arith.constant 0 : i32
    %dma_start3A_685 = tpu.memref_slice %arg7[%dma_start3A_683, %dma_start3A_684] : memref<4x128xf32, #tpu.memory_space<vmem>> -> memref<1x128xf32, #tpu.memory_space<vmem>>
    %dma_start3A_686 = tpu.memref_squeeze %dma_start3A_685 : memref<1x128xf32, #tpu.memory_space<vmem>> -> memref<128xf32, #tpu.memory_space<vmem>>
    %dma_start3A_687 = arith.constant 0 : i32
    %dma_start3A_688 = tpu.memref_slice %arg6[%dma_start3A_682, %dma_start3A_687] : memref<4x128xi32, #tpu.memory_space<vmem>> -> memref<1x128xi32, #tpu.memory_space<vmem>>
    %dma_start3A_689 = tpu.memref_squeeze %dma_start3A_688 : memref<1x128xi32, #tpu.memory_space<vmem>> -> memref<128xi32, #tpu.memory_space<vmem>>
    %dma_start3A_690 = arith.constant 0 : i32
    %dma_start3A_691 = tpu.memref_slice %arg2[%dma_start3A_690] : memref<16384000xf32, #tpu.memory_space<hbm>> -> memref<16384000xf32, #tpu.memory_space<hbm>>
    tpu.enqueue_indirect_dma source(%dma_start3A_691 : memref<16384000xf32, #tpu.memory_space<hbm>>) target(%dma_start3A_686 : memref<128xf32, #tpu.memory_space<vmem>>) offsets(%dma_start3A_689 : memref<128xi32, #tpu.memory_space<vmem>>) semaphore(%arg8 : memref<!tpu.dma_semaphore, #tpu.memory_space<semaphore_mem>>)
    %dma_start3A_692 = arith.constant 2 : i32
    %dma_start3A_693 = arith.constant 2 : i32
    %dma_start3A_694 = arith.constant 0 : i32
    %dma_start3A_695 = tpu.memref_slice %arg7[%dma_start3A_693, %dma_start3A_694] : memref<4x128xf32, #tpu.memory_space<vmem>> -> memref<1x128xf32, #tpu.memory_space<vmem>>
    %dma_start3A_696 = tpu.memref_squeeze %dma_start3A_695 : memref<1x128xf32, #tpu.memory_space<vmem>> -> memref<128xf32, #tpu.memory_space<vmem>>
    %dma_start3A_697 = arith.constant 0 : i32
    %dma_start3A_698 = tpu.memref_slice %arg6[%dma_start3A_692, %dma_start3A_697] : memref<4x128xi32, #tpu.memory_space<vmem>> -> memref<1x128xi32, #tpu.memory_space<vmem>>
    %dma_start3A_699 = tpu.memref_squeeze %dma_start3A_698 : memref<1x128xi32, #tpu.memory_space<vmem>> -> memref<128xi32, #tpu.memory_space<vmem>>
    %dma_start3A_700 = arith.constant 0 : i32
    %dma_start3A_701 = tpu.memref_slice %arg2[%dma_start3A_700] : memref<16384000xf32, #tpu.memory_space<hbm>> -> memref<16384000xf32, #tpu.memory_space<hbm>>
    tpu.enqueue_indirect_dma source(%dma_start3A_701 : memref<16384000xf32, #tpu.memory_space<hbm>>) target(%dma_start3A_696 : memref<128xf32, #tpu.memory_space<vmem>>) offsets(%dma_start3A_699 : memref<128xi32, #tpu.memory_space<vmem>>) semaphore(%arg8 : memref<!tpu.dma_semaphore, #tpu.memory_space<semaphore_mem>>)
    %dma_start3A_702 = arith.constant 3 : i32
    %dma_start3A_703 = arith.constant 3 : i32
    %dma_start3A_704 = arith.constant 0 : i32
    %dma_start3A_705 = tpu.memref_slice %arg7[%dma_start3A_703, %dma_start3A_704] : memref<4x128xf32, #tpu.memory_space<vmem>> -> memref<1x128xf32, #tpu.memory_space<vmem>>
    %dma_start3A_706 = tpu.memref_squeeze %dma_start3A_705 : memref<1x128xf32, #tpu.memory_space<vmem>> -> memref<128xf32, #tpu.memory_space<vmem>>
    %dma_start3A_707 = arith.constant 0 : i32
    %dma_start3A_708 = tpu.memref_slice %arg6[%dma_start3A_702, %dma_start3A_707] : memref<4x128xi32, #tpu.memory_space<vmem>> -> memref<1x128xi32, #tpu.memory_space<vmem>>
    %dma_start3A_709 = tpu.memref_squeeze %dma_start3A_708 : memref<1x128xi32, #tpu.memory_space<vmem>> -> memref<128xi32, #tpu.memory_space<vmem>>
    %dma_start3A_710 = arith.constant 0 : i32
    %dma_start3A_711 = tpu.memref_slice %arg2[%dma_start3A_710] : memref<16384000xf32, #tpu.memory_space<hbm>> -> memref<16384000xf32, #tpu.memory_space<hbm>>
    tpu.enqueue_indirect_dma source(%dma_start3A_711 : memref<16384000xf32, #tpu.memory_space<hbm>>) target(%dma_start3A_706 : memref<128xf32, #tpu.memory_space<vmem>>) offsets(%dma_start3A_709 : memref<128xi32, #tpu.memory_space<vmem>>) semaphore(%arg8 : memref<!tpu.dma_semaphore, #tpu.memory_space<semaphore_mem>>)
    %dma_wait3A = arith.constant 0 : i32
    %dma_wait3A_712 = arith.constant 0 : i32
    %dma_wait3A_713 = arith.constant 0 : i32
    %dma_wait3A_714 = tpu.memref_slice %arg7[%dma_wait3A_712, %dma_wait3A_713] : memref<4x128xf32, #tpu.memory_space<vmem>> -> memref<1x128xf32, #tpu.memory_space<vmem>>
    %dma_wait3A_715 = tpu.memref_squeeze %dma_wait3A_714 : memref<1x128xf32, #tpu.memory_space<vmem>> -> memref<128xf32, #tpu.memory_space<vmem>>
    %dma_wait3A_716 = arith.constant 0 : i32
    %dma_wait3A_717 = tpu.memref_slice %arg6[%dma_wait3A, %dma_wait3A_716] : memref<4x128xi32, #tpu.memory_space<vmem>> -> memref<1x128xi32, #tpu.memory_space<vmem>>
    %dma_wait3A_718 = tpu.memref_squeeze %dma_wait3A_717 : memref<1x128xi32, #tpu.memory_space<vmem>> -> memref<128xi32, #tpu.memory_space<vmem>>
    %dma_wait3A_719 = arith.constant 0 : i32
    %dma_wait3A_720 = tpu.memref_slice %arg2[%dma_wait3A_719] : memref<16384000xf32, #tpu.memory_space<hbm>> -> memref<16384000xf32, #tpu.memory_space<hbm>>
    tpu.wait_indirect_dma semaphore(%arg8 : memref<!tpu.dma_semaphore, #tpu.memory_space<semaphore_mem>>) src(%dma_wait3A_720 : memref<16384000xf32, #tpu.memory_space<hbm>>) dst(%dma_wait3A_715 : memref<128xf32, #tpu.memory_space<vmem>>)
    %dma_wait3A_721 = arith.constant 1 : i32
    %dma_wait3A_722 = arith.constant 1 : i32
    %dma_wait3A_723 = arith.constant 0 : i32
    %dma_wait3A_724 = tpu.memref_slice %arg7[%dma_wait3A_722, %dma_wait3A_723] : memref<4x128xf32, #tpu.memory_space<vmem>> -> memref<1x128xf32, #tpu.memory_space<vmem>>
    %dma_wait3A_725 = tpu.memref_squeeze %dma_wait3A_724 : memref<1x128xf32, #tpu.memory_space<vmem>> -> memref<128xf32, #tpu.memory_space<vmem>>
    %dma_wait3A_726 = arith.constant 0 : i32
    %dma_wait3A_727 = tpu.memref_slice %arg6[%dma_wait3A_721, %dma_wait3A_726] : memref<4x128xi32, #tpu.memory_space<vmem>> -> memref<1x128xi32, #tpu.memory_space<vmem>>
    %dma_wait3A_728 = tpu.memref_squeeze %dma_wait3A_727 : memref<1x128xi32, #tpu.memory_space<vmem>> -> memref<128xi32, #tpu.memory_space<vmem>>
    %dma_wait3A_729 = arith.constant 0 : i32
    %dma_wait3A_730 = tpu.memref_slice %arg2[%dma_wait3A_729] : memref<16384000xf32, #tpu.memory_space<hbm>> -> memref<16384000xf32, #tpu.memory_space<hbm>>
    tpu.wait_indirect_dma semaphore(%arg8 : memref<!tpu.dma_semaphore, #tpu.memory_space<semaphore_mem>>) src(%dma_wait3A_730 : memref<16384000xf32, #tpu.memory_space<hbm>>) dst(%dma_wait3A_725 : memref<128xf32, #tpu.memory_space<vmem>>)
    %dma_wait3A_731 = arith.constant 2 : i32
    %dma_wait3A_732 = arith.constant 2 : i32
    %dma_wait3A_733 = arith.constant 0 : i32
    %dma_wait3A_734 = tpu.memref_slice %arg7[%dma_wait3A_732, %dma_wait3A_733] : memref<4x128xf32, #tpu.memory_space<vmem>> -> memref<1x128xf32, #tpu.memory_space<vmem>>
    %dma_wait3A_735 = tpu.memref_squeeze %dma_wait3A_734 : memref<1x128xf32, #tpu.memory_space<vmem>> -> memref<128xf32, #tpu.memory_space<vmem>>
    %dma_wait3A_736 = arith.constant 0 : i32
    %dma_wait3A_737 = tpu.memref_slice %arg6[%dma_wait3A_731, %dma_wait3A_736] : memref<4x128xi32, #tpu.memory_space<vmem>> -> memref<1x128xi32, #tpu.memory_space<vmem>>
    %dma_wait3A_738 = tpu.memref_squeeze %dma_wait3A_737 : memref<1x128xi32, #tpu.memory_space<vmem>> -> memref<128xi32, #tpu.memory_space<vmem>>
    %dma_wait3A_739 = arith.constant 0 : i32
    %dma_wait3A_740 = tpu.memref_slice %arg2[%dma_wait3A_739] : memref<16384000xf32, #tpu.memory_space<hbm>> -> memref<16384000xf32, #tpu.memory_space<hbm>>
    tpu.wait_indirect_dma semaphore(%arg8 : memref<!tpu.dma_semaphore, #tpu.memory_space<semaphore_mem>>) src(%dma_wait3A_740 : memref<16384000xf32, #tpu.memory_space<hbm>>) dst(%dma_wait3A_735 : memref<128xf32, #tpu.memory_space<vmem>>)
    %dma_wait3A_741 = arith.constant 3 : i32
    %dma_wait3A_742 = arith.constant 3 : i32
    %dma_wait3A_743 = arith.constant 0 : i32
    %dma_wait3A_744 = tpu.memref_slice %arg7[%dma_wait3A_742, %dma_wait3A_743] : memref<4x128xf32, #tpu.memory_space<vmem>> -> memref<1x128xf32, #tpu.memory_space<vmem>>
    %dma_wait3A_745 = tpu.memref_squeeze %dma_wait3A_744 : memref<1x128xf32, #tpu.memory_space<vmem>> -> memref<128xf32, #tpu.memory_space<vmem>>
    %dma_wait3A_746 = arith.constant 0 : i32
    %dma_wait3A_747 = tpu.memref_slice %arg6[%dma_wait3A_741, %dma_wait3A_746] : memref<4x128xi32, #tpu.memory_space<vmem>> -> memref<1x128xi32, #tpu.memory_space<vmem>>
    %dma_wait3A_748 = tpu.memref_squeeze %dma_wait3A_747 : memref<1x128xi32, #tpu.memory_space<vmem>> -> memref<128xi32, #tpu.memory_space<vmem>>
    %dma_wait3A_749 = arith.constant 0 : i32
    %dma_wait3A_750 = tpu.memref_slice %arg2[%dma_wait3A_749] : memref<16384000xf32, #tpu.memory_space<hbm>> -> memref<16384000xf32, #tpu.memory_space<hbm>>
    tpu.wait_indirect_dma semaphore(%arg8 : memref<!tpu.dma_semaphore, #tpu.memory_space<semaphore_mem>>) src(%dma_wait3A_750 : memref<16384000xf32, #tpu.memory_space<hbm>>) dst(%dma_wait3A_745 : memref<128xf32, #tpu.memory_space<vmem>>)
    "tpu.region"() ({
      %run_scoped3A = tpu.sem_alloc : memref<!tpu.dma_semaphore, #tpu.memory_space<semaphore_mem>>
      %dma_start3A_751 = arith.constant 0 : i32
      %dma_start3A_752 = arith.constant 0 : i32
      %dma_start3A_753 = tpu.memref_slice %arg4[%add3A, %dma_start3A_751, %dma_start3A_752] : memref<32x4x128xf32, #tpu.memory_space<hbm>> -> memref<1x4x128xf32, #tpu.memory_space<hbm>>
      %dma_start3A_754 = tpu.memref_squeeze %dma_start3A_753 : memref<1x4x128xf32, #tpu.memory_space<hbm>> -> memref<4x128xf32, #tpu.memory_space<hbm>>
      %dma_start3A_755 = arith.constant 0 : i32
      %dma_start3A_756 = arith.constant 0 : i32
      %dma_start3A_757 = tpu.memref_slice %arg4[%add3A, %dma_start3A_755, %dma_start3A_756] : memref<32x4x128xf32, #tpu.memory_space<hbm>> -> memref<1x4x128xf32, #tpu.memory_space<hbm>>
      %dma_start3A_758 = tpu.memref_squeeze %dma_start3A_757 : memref<1x4x128xf32, #tpu.memory_space<hbm>> -> memref<4x128xf32, #tpu.memory_space<hbm>>
      tpu.enqueue_dma source(%arg7 : memref<4x128xf32, #tpu.memory_space<vmem>>) target(%dma_start3A_758 : memref<4x128xf32, #tpu.memory_space<hbm>>) target_semaphore(%run_scoped3A : memref<!tpu.dma_semaphore, #tpu.memory_space<semaphore_mem>>)
      %dma_wait3A_759 = arith.constant 0 : i32
      %dma_wait3A_760 = arith.constant 0 : i32
      %dma_wait3A_761 = tpu.memref_slice %arg4[%add3A, %dma_wait3A_759, %dma_wait3A_760] : memref<32x4x128xf32, #tpu.memory_space<hbm>> -> memref<1x4x128xf32, #tpu.memory_space<hbm>>
      %dma_wait3A_762 = tpu.memref_squeeze %dma_wait3A_761 : memref<1x4x128xf32, #tpu.memory_space<hbm>> -> memref<4x128xf32, #tpu.memory_space<hbm>>
      %dma_wait3A_763 = arith.constant 0 : i32
      %dma_wait3A_764 = arith.constant 0 : i32
      %dma_wait3A_765 = tpu.memref_slice %arg4[%add3A, %dma_wait3A_763, %dma_wait3A_764] : memref<32x4x128xf32, #tpu.memory_space<hbm>> -> memref<1x4x128xf32, #tpu.memory_space<hbm>>
      %dma_wait3A_766 = tpu.memref_squeeze %dma_wait3A_765 : memref<1x4x128xf32, #tpu.memory_space<hbm>> -> memref<4x128xf32, #tpu.memory_space<hbm>>
      tpu.wait_dma2 semaphore(%run_scoped3A : memref<!tpu.dma_semaphore, #tpu.memory_space<semaphore_mem>>) src(%arg7 : memref<4x128xf32, #tpu.memory_space<vmem>>) dst(%dma_wait3A_766 : memref<4x128xf32, #tpu.memory_space<hbm>>)
      tpu.yield
    }) : () -> ()
    return
  }
}

</mosaic_0001>

<sc_bundles>
// kernel: kernel.3.cloned.1.call-start
scs
__scs_entry_jumppad:
0x0: {  	(pc) =	sbr.rel $0x88, $3  }
0x1: {  	(tag) =	ssettag $0x0;
	lr =	simm.s32 $0x1  }
0x2: {  	[smem:$0x3F9D] =	sst lr;
	_ =	strace $0xD0000000  }
0x3: {  	_ = 	snop  }
0x4: {  	_ = 	snop  }
0x5: {  	_ = 	snop  }
0x6: {  	_ = 	snop  }
0x7: {  	_ = 	snop  }
__scs_overlays_trampoline_lowered:
0x8: {  	[smem:$0x3FAC] =	sst s0  }
0x9: {  	[smem:$0x3FAD] =	sst s1  }
0xa: {  	[smem:$0x3FAE] =	sst s2  }
0xb: {  	[smem:$0x3FAF] =	sst s3  }
0xc: {  	[smem:$0x3FB0] =	sst s4  }
0xd: {  	[smem:$0x3FB1] =	sst s5  }
0xe: {  	[smem:$0x3FB2] =	sst s6  }
0xf: {  	[smem:$0x3FB3] =	sst s7  }
0x10: {  	[smem:$0x3FB4] =	sst s8  }
0x11: {  	[smem:$0x3FB5] =	sst s9;
	s0 =	simm.s32 @!p0 $0x0  }
0x12: {  	s1 =	sld [smem:$0x3F9B];
	s0 =	simm.s32 @p0 $0x1  }
0x13: {  	[smem:$0x3FB6] =	sst s0;
	s0 =	simm.s32 @!p1 $0x0  }
0x14: {  	s2 =	sld [smem:$0x3F9A];
	s0 =	simm.s32 @p1 $0x1  }
0x15: {  	[smem:$0x3FB7] =	sst s0;
	s0 =	simm.s32 @!p2 $0x0  }
0x16: {  	s3 =	sld [smem:$0x3FDB];
	s0 =	simm.s32 @p2 $0x1  }
0x17: {  	s4 =	simm.s32 $0x1BF5;
	[smem:$0x3FB9] =	sst s0  }
0x18: {  	s0 =	sld [smem:$0x3F9C];
	_ =	swait.ge [sflag:s4], $0x0  }
0x19: {  	s7 =	sld [smem:$0x3F9D]  }
0x1a: {  	s8 =	sadd.s32 $0xFFFFE003, lr  }
0x1b: {  	s9 =	sadd.s32 $0xFFFFFEF7, lr;
	s5 =	simm.s32 $0xFFFFFFFF;
	p2 =	slt.u32 s8, $0xFFFFF086  }
0x1c: {  	p1 =	slt.u32 s9, $0xF7A;
	s5 =	simm.s32 @!p2 $0x0  }
0x1d: {  	s5 =	simm.s32 @p1 $0x1;
	p0 =	seq.s32 s7, s2  }
0x1e: {  	s7 =	smul.u32 @!p0 $0xF7A, s2;
	p2 =	seq.s32 @!p0 s5, $0x0  }
0x1f: {  	s9 =	smul.u32 $0xF7A, s1;
	s8 =	simm.s32 @!p0 $0x1BF5;
	p2 =	por !p2, p0  }
0x20: {  	[sflag:s8] =	ssyncset.s32 @!p0 $0xFFFFF086;
	s6 =	sadd.s32 @!p0 s3, s7;
	s7 =	simm.s32 @!p0 $0x108  }
0x21: {  	s3 =	sadd.s32 s3, s9;
	s6 =	sadd.s32 @!p0 $0x88, s6;
	s7 =	simm.s32 @p2 $0x1082  }
0x22: {  	[simem:s7], [sflag:s8] =	dma.local @!p0 [hbm:s6], $0xF7A  }
0x23: {  	s9 =	sor.u32 $0xD0000000, s2;
	s6 =	simm.s32 $0x108;
	_ =	swait.ge @!p0 [sflag:s8], $0x0  }
0x24: {  	s3 =	sadd.s32 $0x88, s3;
	s6 =	simm.s32 @!p1 $0x1082;
	[sflag:s4] =	ssyncset.s32 $0xFFFFF086  }
0x25: {  	[simem:s6], [sflag:s4] =	dma.local [hbm:s3], $0xF7A  }
0x26: {  	[smem:$0x3F9D] =	sst s1;
	(tag) =	ssettag s2;
	_ =	strace s9  }
0x27: {  	s1 =	sld [smem:$0x3FAD]  }
0x28: {  	s2 =	sld [smem:$0x3FAE]  }
0x29: {  	s4 =	sld [smem:$0x3FB0]  }
0x2a: {  	p0 =	seq.s32 s5, $0x0;
	s5 =	sld [smem:$0x3FB1]  }
0x2b: {  	s6 =	sld [smem:$0x3FB2]  }
0x2c: {  	s7 =	sld [smem:$0x3FB3]  }
0x2d: {  	s3 =	simm.s32 $0x108;
	s8 =	sld [smem:$0x3FB4]  }
0x2e: {  	s3 =	simm.s32 @!p0 $0x1082;
	s9 =	sld [smem:$0x3FB5]  }
0x2f: {  	lr =	sadd.s32 s0, s3;
	s0 =	sld [smem:$0x3FAC]  }
0x30: {  	s3 =	sld [smem:$0x3FAF]  }
0x31: {  	[smem:$0x3FB8] =	sst s10  }
0x32: {  	s10 =	sld [smem:$0x3FB6];
	_ =	sdelay $0x3  }
0x33: {  	p0 =	seq.s32 s10, $0x1;
	s10 =	sld [smem:$0x3FB8];
	_ =	sdelay $0x3  }
0x34: {  	[smem:$0x3FB8] =	sst s10  }
0x35: {  	s10 =	sld [smem:$0x3FB7];
	_ =	sdelay $0x3  }
0x36: {  	p1 =	seq.s32 s10, $0x1;
	s10 =	sld [smem:$0x3FB8];
	_ =	sdelay $0x3  }
0x37: {  	[smem:$0x3FB8] =	sst s10  }
0x38: {  	s10 =	sld [smem:$0x3FB9]  }
0x39: {  	_ = 	snop;
	(pc) =	sbr.ind lr, $3  }
0x3a: {  	_ = 	snop  }
0x3b: {  	_ = 	snop  }
0x3c: {  	p2 =	seq.s32 s10, $0x1;
	s10 =	sld [smem:$0x3FB8]  }
0x3d: {  	_ =	shalt  }
0x3e: {  	_ =	shalt  }
0x3f: {  	_ =	shalt  }
0x40: {  	_ =	shalt  }
0x41: {  	_ =	shalt  }
0x42: {  	_ =	shalt  }
0x43: {  	_ =	shalt  }
0x44: {  	_ =	shalt  }
0x45: {  	_ =	shalt  }
0x46: {  	_ =	shalt  }
0x47: {  	_ =	shalt  }
0x48: {  	_ =	shalt  }
0x49: {  	_ =	shalt  }
0x4a: {  	_ =	shalt  }
0x4b: {  	_ =	shalt  }
0x4c: {  	_ =	shalt  }
0x4d: {  	_ =	shalt  }
0x4e: {  	_ =	shalt  }
0x4f: {  	_ =	shalt  }
0x50: {  	_ =	shalt  }
0x51: {  	_ =	shalt  }
0x52: {  	_ =	shalt  }
0x53: {  	_ =	shalt  }
0x54: {  	_ =	shalt  }
0x55: {  	_ =	shalt  }
0x56: {  	_ =	shalt  }
0x57: {  	_ =	shalt  }
0x58: {  	_ =	shalt  }
0x59: {  	_ =	shalt  }
0x5a: {  	_ =	shalt  }
0x5b: {  	_ =	shalt  }
0x5c: {  	_ =	shalt  }
0x5d: {  	_ =	shalt  }
0x5e: {  	_ =	shalt  }
0x5f: {  	_ =	shalt  }
0x60: {  	_ =	shalt  }
0x61: {  	_ =	shalt  }
0x62: {  	_ =	shalt  }
0x63: {  	_ =	shalt  }
0x64: {  	_ =	shalt  }
0x65: {  	_ =	shalt  }
0x66: {  	_ =	shalt  }
0x67: {  	_ =	shalt  }
0x68: {  	_ =	shalt  }
0x69: {  	_ =	shalt  }
0x6a: {  	_ =	shalt  }
0x6b: {  	_ =	shalt  }
0x6c: {  	_ =	shalt  }
0x6d: {  	_ =	shalt  }
0x6e: {  	_ =	shalt  }
0x6f: {  	_ =	shalt  }
0x70: {  	_ =	shalt  }
0x71: {  	_ =	shalt  }
0x72: {  	_ =	shalt  }
0x73: {  	_ =	shalt  }
0x74: {  	_ =	shalt  }
0x75: {  	_ =	shalt  }
0x76: {  	_ =	shalt  }
0x77: {  	_ =	shalt  }
0x78: {  	_ =	shalt  }
0x79: {  	_ =	shalt  }
0x7a: {  	_ =	shalt  }
0x7b: {  	_ =	shalt  }
0x7c: {  	_ =	shalt  }
0x7d: {  	_ =	shalt  }
0x7e: {  	_ =	shalt  }
0x7f: {  	_ =	shalt  }
0x80: {  	_ =	shalt  }
0x81: {  	_ =	shalt  }
0x82: {  	_ =	shalt  }
0x83: {  	_ =	shalt  }
0x84: {  	_ =	shalt  }
0x85: {  	_ =	shalt  }
0x86: {  	_ =	shalt  }
0x87: {  	_ =	shalt  }
.Lfunc_end0:
.L_simem_size_0:
called_computation_lowered:
.L_overlay_start_0:
0x88: {  	s2 =	sld [smem:$0x3FD9]  }
0x89: {  	s3 =	sld [smem:$0x3FFE];
	_ =	sdelay $0x1  }
0x8a: {  	s1 =	srdreg.scid  }
0x8b: {  	s0 =	sand.u32 $0x1, s1  }
0x8c: {  	s17 =	sshll.u32 s0, $0xA;
	s2 =	sadd.s32 s3, s2  }
0x8d: {  	s2 =	sadd.s32 s2, s17  }
0x8e: {  	[smem:$0x3FC4] =	sst s2  }
0x8f: {  	_ = 	snop  }
0x90: {  	s2 =	sld [smem:$0x3FC8];
	(tm) =	ssettm $0x1  }
0x91: {  	s18 =	sld [smem:$0x3FFB];
	_ =	sdelay $0x3  }
0x92: {  	_ =	strace s18  }
0x93: {  	s3 =	sld [smem:$0x3FFC];
	_ =	sdelay $0x3  }
0x94: {  	_ =	strace s3  }
0x95: {  	s3 =	sld [smem:$0x3FFD];
	_ =	sdelay $0x3  }
0x96: {  	_ =	strace s3  }
0x97: {  	_ =	strace $0x8FFFFFFF  }
0x98: {  	s19 =	sld [smem:$0x3FDB];
	_ =	sdelay $0x1  }
0x99: {  	s4 =	simm.s32 $_scs_section_size  }
0x9a: {  	s5 =	simm.s32 $_size__tile_overlayer_lowered;
	s6 =	simm.s32 $_tile_overlayer_lowered  }
0x9b: {  	s22 =	simm.s32 $0x1BFF;
	s21 =	sshll.u32 s6, $0x1;
	s3 =	sadd.s32 s4, s19  }
0x9c: {  	s7 =	simm.s32 $0x0;
	s20 =	sshll.u32 s5, $0x1;
	s5 =	sadd.s32 s21, s3  }
0x9d: {  	[timem:s7], [sflag:s22] =	dma.local [hbm:s5], s20  }
0x9e: {  	_ =	swait.ge [sflag:s22], s20  }
0x9f: {  	s4 =	ssub.s32 $0x0, s20;
	[sflag:s22] =	ssyncset.done $0x0  }
0xa0: {  	[sflag:s22] =	ssyncadd.s32 s4;
	_ =	sdelay $0x1  }
0xa1: {  	s23 =	simm.s32 $0x1B8B  }
0xa2: {  	_ =	swait.ge [sflag:s23], $0x1  }
0xa3: {  	[sflag:s23] =	ssyncset.done $0x0  }
0xa4: {  	s25 =	simm.s32 $0x1B8E;
	s24 =	sld [smem:$0x3FFE];
	[sflag:s23] =	ssyncadd.s32 $0xFFFFFFFF  }
0xa5: {  	s26 =	simm.s32 $execute0_lowered;
	[smem:$0x3FD2] =	sst s25  }
0xa6: {  	s5 =	sshll.u32 s26, $0x1;
	_ =	strace $0x80000046;
	[dreg:$0x1] =	wrdreg $0xFFFFFFFF  }
0xa7: {  	s28 =	simm.s32 $_size_execute0_lowered;
	s3 =	sadd.s32 s3, s5;
	[dreg:$0x0] =	wrdreg $0x0  }
0xa8: {  	s5 =	sshll.u32 s28, $0x1;
	[dreg:$0x2] =	wrdreg s3  }
0xa9: {  	[dreg:$0x3] =	wrdreg s5  }
0xaa: {  	[dreg:$0x4] =	wrdreg $0xC0  }
0xab: {  	_ =	task [dreg:s7], $0x5FFFF  }
0xac: {  	[dreg:$0x1] =	wrdreg $0xFFFFFFFF  }
0xad: {  	[dreg:$0x0] =	wrdreg $0x60  }
0xae: {  	[dreg:$0x2] =	wrdreg s24  }
0xaf: {  	[dreg:$0x3] =	wrdreg s2  }
0xb0: {  	[dreg:$0x4] =	wrdreg $0x9  }
0xb1: {  	_ =	task.clear_ibuf [dreg:s7], $0x5FFFF;
	_ =	strace $0x90000046  }
0xb2: {  	s29 =	simm.s32 $0x9;
	_ =	strace $0x80000048  }
0xb3: {  	_ =	swait.ge [sflag:s29], $0x1  }
0xb4: {  	[sflag:s29] =	ssyncadd.s32 $0xFFFFFFFF  }
0xb5: {  	_ =	strace $0x90000048  }
0xb6: {  	_ =	sfence  }
0xb7: {  	s30 =	sld [smem:$0x0];
	_ =	sdelay $0x2  }
0xb8: {  	s31 =	sshll.u32 s1, $0xD;
	s1 =	sshrl.u32 s1, $0x2  }
0xb9: {  	s3 =	sand.u32 $0x4000, s31;
	s1 =	sadd.s32 s1, s30  }
0xba: {  	s0 =	sor.u32 s3, s0;
	s1 =	sshll.u32 s1, $0x11  }
0xbb: {  	s0 =	sor.u32 s1, s0  }
0xbc: {  	s0 =	sadd.s32 $0x8F2B, s0  }
0xbd: {  	[sflag:s0] =	ssyncadd.remote.s32 $0x1  }
0xbe: {  	_ =	sfence.sel $0xFFFF  }
0xbf: {  	[dreg:$0x0] =	wrdreg $0xFFFFFFFF;
	(pc) =	sbr.abs _section_cstart, $3  }
0xc0: {  	[dreg:$0x1] =	wrdreg $0xFFFFFFFF  }
0xc1: {  	_ =	task.clear_ibuf [dreg:s7], $0x2FFFF;
	_ =	strace $0x9FFFFFFF  }
0xc2: {  	(tm) =	ssettm $0x7FFFFFFF  }
0xc3: {  	_ =	shalt  }
tec
execute0_lowered:
.L_overlay_start_1:
0x0: {  	(tag) =	ssettag $0x1  }
0x1: {  	s1 =	srdreg.scid  }
0x2: {  	s0 =	stileid.u32;
	s3 =	sand.u32 $0x1, s1  }
0x3: {  	s29 =	sshll.u32 s0, $0xA;
	s2 =	sshll.u32 s3, $0x9  }
0x4: {  	s4 =	sor.u32 s2, s29  }
0x5: {  	v3 =	vlaneseq.u32;
	s1 =	sor.u32 $0x10, s4  }
0x6: {  	v29 =	vmul.u32 $0x3E8, v3;
	v0 =	vmov s4;
	s30 =	sor.u32 $0x20, s4;
	s31 =	sor.u32 $0x30, s4;
	v1 =	vmov s1  }
0x7: {  	s2 =	sor.u32 $0x40, s4;
	s7 =	sor.u32 $0x80, s4;
	s9 =	sor.u32 $0xA0, s4;
	v0 =	vmul.u32 $0x3E8, v0;
	v2 =	vmov s30;
	v3 =	vmov s31  }
0x8: {  	s10 =	sor.u32 $0xB0, s4;
	s13 =	sor.u32 $0xE0, s4;
	s15 =	sor.u32 $0x100, s4;
	v4 =	vmov s2;
	v7 =	vmov s7;
	v9 =	vmov s9  }
0x9: {  	s16 =	sor.u32 $0x110, s4;
	s18 =	sor.u32 $0x130, s4;
	s19 =	sor.u32 $0x140, s4;
	v11 =	vmov s10;
	v15 =	vmov s13;
	v16 =	vmov s15  }
0xa: {  	s21 =	sor.u32 $0x160, s4;
	s22 =	sor.u32 $0x170, s4;
	s28 =	sor.u32 $0x1C0, s4;
	v18 =	vmov s16;
	v19 =	vmov s18;
	v21 =	vmov s19  }
0xb: {  	s29 =	sor.u32 $0x1D0, s4;
	v22 =	vmov s21;
	v23 =	vmov s22;
	v28 =	vmov s28  }
0xc: {  	s2 =	sor.u32 $0x50, s4;
	v30 =	vmov s29;
	v1 =	vmul.u32 $0x3E8, v1;
	v2 =	vmul.u32 $0x3E8, v2  }
0xd: {  	v3 =	vmul.u32 $0x3E8, v3;
	v4 =	vmul.u32 $0x3E8, v4;
	v5 =	vmov s2  }
0xe: {  	v10 =	vmul.u32 $0x3E8, v9;
	v16 =	vmul.u32 $0x3E8, v16;
	v19 =	vmul.u32 $0x3E8, v19  }
0xf: {  	v21 =	vmul.u32 $0x3E8, v21;
	v0 =	vbroadcast v0, $0x0;
	v1 =	vbroadcast v1, $0x0  }
0x10: {  	v22 =	vmul.u32 $0x3E8, v22;
	v23 =	vmul.u32 $0x3E8, v23;
	v2 =	vbroadcast v2, $0x0  }
0x11: {  	v8 =	vadd.s32 v29, v0;
	v0 =	vadd.s32 v29, v1;
	v1 =	vmul.u32 $0x3E8, v5  }
0x12: {  	s5 =	sor.u32 $0x60, s4;
	s6 =	sor.u32 $0x70, s4;
	v14 =	vadd.s32 v29, v2;
	v2 =	vbroadcast v3, $0x0;
	v3 =	vbroadcast v4, $0x0  }
0x13: {  	v5 =	vmov s6;
	v4 =	vbroadcast v1, $0x0;
	v1 =	vmov s5  }
0x14: {  	v28 =	vmul.u32 $0x3E8, v28;
	v5 =	vmul.u32 $0x3E8, v5;
	v6 =	vmul.u32 $0x3E8, v1  }
0x15: {  	s8 =	sor.u32 $0x90, s4;
	v30 =	vmul.u32 $0x3E8, v30;
	v1 =	vadd.s32 v29, v2;
	v2 =	vmul.u32 $0x3E8, v7  }
0x16: {  	s30 =	sor.u32 $0x1E0, s4;
	v5 =	vbroadcast v5, $0x0;
	v7 =	vmov s8;
	v6 =	vbroadcast v6, $0x0  }
0x17: {  	s31 =	sor.u32 $0x1F0, s4;
	v31 =	vmov s30;
	v7 =	vmul.u32 $0x3E8, v7;
	v2 =	vbroadcast v2, $0x0  }
0x18: {  	v32 =	vmov s31;
	v9 =	vadd.s32 v29, v5;
	v12 =	vadd.s32 v29, v6  }
0x19: {  	s11 =	sor.u32 $0xC0, s4;
	s12 =	sor.u32 $0xD0, s4;
	v6 =	vmul.u32 $0x3E8, v11;
	v5 =	vadd.s32 v29, v2;
	v2 =	vbroadcast v7, $0x0  }
0x1a: {  	v7 =	vbroadcast v10, $0x0;
	v10 =	vmov s11;
	v11 =	vmov s12  }
0x1b: {  	v31 =	vmul.u32 $0x3E8, v31;
	v10 =	vmul.u32 $0x3E8, v10;
	v11 =	vmul.u32 $0x3E8, v11  }
0x1c: {  	s14 =	sor.u32 $0xF0, s4;
	v16 =	vbroadcast v16, $0x0;
	v13 =	vadd.s32 v29, v7;
	v7 =	vmul.u32 $0x3E8, v15  }
0x1d: {  	v15 =	vmov s14;
	v10 =	vbroadcast v10, $0x0;
	v11 =	vbroadcast v11, $0x0  }
0x1e: {  	v19 =	vbroadcast v19, $0x0;
	v28 =	vbroadcast v28, $0x0;
	v17 =	vmul.u32 $0x3E8, v15  }
0x1f: {  	v15 =	vadd.s32 v29, v10;
	v10 =	vadd.s32 v29, v11;
	v11 =	vmul.u32 $0x3E8, v18  }
0x20: {  	s17 =	sor.u32 $0x120, s4;
	v32 =	vmul.u32 $0x3E8, v32;
	v30 =	vbroadcast v30, $0x0;
	v34 =	vbroadcast v31, $0x0  }
0x21: {  	v17 =	vbroadcast v17, $0x0;
	v18 =	vbroadcast v11, $0x0;
	v11 =	vmov s17  }
0x22: {  	v35 =	vbroadcast v32, $0x0;
	v16 =	vadd.s32 v29, v16;
	v20 =	vmul.u32 $0x3E8, v11  }
0x23: {  	s20 =	sor.u32 $0x150, s4;
	s23 =	sor.u32 $0x1A0, s4;
	v24 =	vadd.s32 v29, v19;
	v11 =	vadd.s32 v29, v17;
	v17 =	vadd.s32 v29, v18  }
0x24: {  	s24 =	sshrl.u32 s4, $0x3;
	s1 =	rddreg [dreg:$0x2];
	s2 =	simm.s32 $0x0;
	v18 =	vbroadcast v20, $0x0;
	v20 =	vbroadcast v21, $0x0;
	v21 =	vmov s20  }
0x25: {  	s9 =	ssub.s32 $0x2, s3;
	[smem:$0x7FF] =	sst s2;
	v28 =	vadd.s32 v29, v28;
	v31 =	vadd.s32 v29, v30;
	s8 =	sor.u32 $0x190, s4;
	v21 =	vmul.u32 $0x3E8, v21  }
0x26: {  	s7 =	sor.u32 $0x180, s4;
	s25 =	sshrl.u32 s9, $0x1;
	s6 =	rddreg [dreg:$0x1];
	v30 =	vadd.s32 v29, v34;
	v3 =	vadd.s32 v29, v3;
	v25 =	vmov s8  }
0x27: {  	s16 =	sadd.s32 s6, s24;
	s5 =	rddreg [dreg:$0x0];
	_ =	strace $0x80000047;
	v27 =	vmul.u32 $0x3E8, v25;
	v19 =	vadd.s32 v29, v20;
	v20 =	vbroadcast v21, $0x0  }
0x28: {  	[tilespmem:s2], [sflag:$0x2] =	stream.linear.gather [hbm4b:s16+s2], $0x200, $0x38;
	v21 =	vbroadcast v22, $0x0;
	v22 =	vbroadcast v23, $0x0;
	v23 =	vmov s7;
	[tilespmem:$0x600] =	vst v63  }
0x29: {  	s26 =	sor.u32 $0x1B0, s4;
	s8 =	ssub.s32 s9, s25;
	v25 =	vmov s23;
	v27 =	vbroadcast v27, $0x0;
	v26 =	vmul.u32 $0x3E8, v23  }
0x2a: {  	s10 =	simm.s32 $0x480;
	s13 =	simm.s32 $0x500;
	v6 =	vbroadcast v6, $0x0;
	s17 =	smax.u32 s8, $0x1;
	v23 =	vadd.s32 v29, v21;
	v21 =	vmul.u32 $0x3E8, v25  }
0x2b: {  	s15 =	simm.s32 $0x580;
	s4 =	simm.s32 $0x2;
	p0 =	sne.s32 s17, $0x1;
	v25 =	vadd.s32 v29, v22;
	v22 =	vbroadcast v26, $0x0;
	v26 =	vmov s26  }
.Ltmp0:
0x2c: {  	s6 =	simm.s32 $0x400;
	v4 =	vadd.s32 v29, v4;
	_ =	swait.ge [sflag:s4], $0x200;
	v7 =	vbroadcast v7, $0x0;
	v26 =	vmul.u32 $0x3E8, v26;
	(pc) =	sbr.rel @!p0 .LBB2_2-.Ltmp0, $4  }
0x2d: {  	s3 =	sadd.s32 $0x200400, s5;
	s5 =	sadd.s32 s24, s5;
	[sflag:s4] =	ssyncset.done $0x0;
	v2 =	vadd.s32 v29, v2;
	v27 =	vadd.s32 v29, v27;
	v6 =	vadd.s32 v29, v6  }
0x2e: {  	s5 =	sadd.s32 $0x400, s5;
	s9 =	simm.s32 $0x280;
	[sflag:s4] =	ssyncadd.s32 $0xFFFFFE00;
	v7 =	vadd.s32 v29, v7;
	v21 =	vbroadcast v21, $0x0;
	v33 =	vbroadcast v26, $0x0  }
0x2f: {  	s11 =	simm.s32 $0x300;
	v32 =	vld [tilespmem:$0x130];
	s12 =	simm.s32 $0x1;
	s14 =	simm.s32 $0x380;
	v18 =	vadd.s32 v29, v18;
	v20 =	vadd.s32 v29, v20;
	v26 =	vadd.s32 v29, v22  }
0x30: {  	s8 =	simm.s32 $0x200;
	s17 =	sadd.s32 $0xFFFFFFFF, s17;
	s7 =	simm.s32 $0x80;
	v22 =	vadd.s32 v29, v21;
	v21 =	vadd.s32 v29, v33;
	v29 =	vadd.s32 v29, v35;
	v33 =	vld [tilespmem:$0x1C0]  }
.LBB2_1:
0x31: {  	p0 =	sne.s32 s17, $0x1;
	s17 =	sadd.s32 $0xFFFFFFFF, s17;
	v34 =	vld [tilespmem:$0x1D0]  }
0x32: {  	v35 =	vld [tilespmem:$0x1E0]  }
0x33: {  	v36 =	vld [tilespmem:$0x20]  }
0x34: {  	v37 =	vld [tilespmem:$0x0]  }
0x35: {  	v38 =	vld [tilespmem:$0x40]  }
0x36: {  	v34 =	vadd.s32 v34, v31;
	v39 =	vld [tilespmem:$0x1F0]  }
0x37: {  	v33 =	vadd.s32 v33, v28;
	v40 =	vld [tilespmem:$0x170];
	[tilespmem:$0x3D0] =	vst v34;
	v34 =	vadd.s32 v35, v30  }
0x38: {  	v32 =	vadd.s32 v32, v24;
	v35 =	vadd.s32 v36, v14;
	v36 =	vld [tilespmem:$0x190];
	[tilespmem:$0x3E0] =	vst v34  }
0x39: {  	v34 =	vadd.s32 v37, v8;
	[tilespmem:$0x220] =	vst v35;
	v35 =	vld [tilespmem:$0x180]  }
0x3a: {  	[tilespmem:$0x200] =	vst v34;
	v34 =	vld [tilespmem:$0x80]  }
0x3b: {  	v37 =	vld [tilespmem:$0x50];
	[tilespmem:$0x330] =	vst v32;
	v32 =	vadd.s32 v39, v29  }
0x3c: {  	v39 =	vld [tilespmem:$0x60];
	v40 =	vadd.s32 v40, v25;
	[tilespmem:$0x3C0] =	vst v33  }
0x3d: {  	v33 =	vld [tilespmem:$0x70];
	v36 =	vadd.s32 v36, v27;
	[tilespmem:$0x3F0] =	vst v32  }
0x3e: {  	v32 =	vadd.s32 v38, v3;
	v38 =	vld [tilespmem:$0x160];
	[tilespmem:$0x370] =	vst v40;
	v35 =	vadd.s32 v35, v26  }
0x3f: {  	v40 =	vld [tilespmem:$0x90];
	[tilespmem:$0x390] =	vst v36  }
0x40: {  	v36 =	vadd.s32 v37, v4;
	v37 =	vld [tilespmem:$0x150];
	[tilespmem:$0x380] =	vst v35  }
0x41: {  	[tilespmem:$0x240] =	vst v32;
	v32 =	vadd.s32 v39, v12;
	v35 =	vld [tilespmem:$0xA0]  }
0x42: {  	[tilespmem:$0x250] =	vst v36;
	v33 =	vadd.s32 v33, v9;
	v36 =	vld [tilespmem:$0x140]  }
0x43: {  	v39 =	vld [tilespmem:$0x30];
	[tilespmem:$0x260] =	vst v32;
	v32 =	vadd.s32 v34, v5;
	v34 =	vadd.s32 v38, v23  }
0x44: {  	[tilespmem:$0x270] =	vst v33;
	v33 =	vld [tilespmem:$0xB0]  }
0x45: {  	v38 =	vadd.s32 v40, v2;
	v40 =	vld [tilespmem:$0xC0];
	v37 =	vadd.s32 v37, v20;
	[tilespmem:$0x360] =	vst v34  }
0x46: {  	[tilespmem:$0x280] =	vst v32;
	v32 =	vadd.s32 v35, v13;
	v34 =	vld [tilespmem:$0x120]  }
0x47: {  	v35 =	vld [tilespmem:$0xD0];
	v36 =	vadd.s32 v36, v19;
	[tilespmem:$0x350] =	vst v37  }
0x48: {  	v37 =	vadd.s32 v39, v1;
	[tilespmem:$0x2A0] =	vst v32;
	v32 =	vld [tilespmem:$0x110]  }
0x49: {  	v33 =	vadd.s32 v33, v6;
	v39 =	vld [tilespmem:$0xE0];
	[tilespmem:$0x340] =	vst v36  }
0x4a: {  	[tilespmem:$0x230] =	vst v37;
	v36 =	vadd.s32 v40, v15;
	v37 =	vld [tilespmem:$0x100]  }
0x4b: {  	[tilespmem:$0x2B0] =	vst v33;
	v33 =	vadd.s32 v34, v18  }
0x4c: {  	[tilespmem:$0x2C0] =	vst v36;
	v34 =	vadd.s32 v35, v10;
	v35 =	vld [tilespmem:$0xF0]  }
0x4d: {  	v36 =	vld [tilespmem:$0x10];
	v32 =	vadd.s32 v32, v17;
	[tilespmem:$0x320] =	vst v33  }
0x4e: {  	[tilespmem:$0x2D0] =	vst v34;
	v33 =	vadd.s32 v39, v7;
	v34 =	vld [tilespmem:$0x1A0]  }
0x4f: {  	v37 =	vadd.s32 v37, v16;
	[tilespmem:$0x310] =	vst v32;
	v32 =	vld [tilespmem:$0x1B0]  }
0x50: {  	[tilespmem:$0x2E0] =	vst v33  }
0x51: {  	v33 =	vadd.s32 v35, v11;
	[tilespmem:$0x300] =	vst v37  }
0x52: {  	v35 =	vadd.s32 v36, v0;
	[tilespmem:$0x290] =	vst v38  }
0x53: {  	[tilespmem:$0x2F0] =	vst v33;
	v33 =	vadd.s32 v34, v22  }
0x54: {  	[tilespmem:$0x3A0] =	vst v33;
	v32 =	vadd.s32 v32, v21  }
0x55: {  	[tilespmem:$0x3B0] =	vst v32  }
0x56: {  	[tilespmem:$0x210] =	vst v35  }
0x57: {  	[tilespmem:s6], [sflag:$0x1] =	stream.indirect.gather [hbm4b:s3+s7], $0x1, s8, s7, $0xb8;
	[tilespmem:$0x600] =	vst v63  }
0x58: {  	_ = 	snop  }
0x59: {  	[tilespmem:s10], [sflag:$0x1] =	stream.indirect.gather [hbm4b:s3+s7], $0x1, s9, s7, $0xb8;
	[tilespmem:$0x600] =	vst v63  }
0x5a: {  	_ = 	snop  }
0x5b: {  	[tilespmem:s13], [sflag:$0x1] =	stream.indirect.gather [hbm4b:s3+s7], $0x1, s11, s7, $0xb8;
	[tilespmem:$0x600] =	vst v63  }
0x5c: {  	_ = 	snop  }
0x5d: {  	[tilespmem:s15], [sflag:$0x1] =	stream.indirect.gather [hbm4b:s3+s7], $0x1, s14, s7, $0xb8;
	[tilespmem:$0x600] =	vst v63  }
0x5e: {  	_ =	swait.ge [sflag:s12], $0x80  }
0x5f: {  	[sflag:s12] =	ssyncset.done $0x0  }
0x60: {  	[sflag:s12] =	ssyncadd.s32 $0xFFFFFF80  }
0x61: {  	_ =	swait.ge [sflag:s12], $0x80  }
0x62: {  	[sflag:s12] =	ssyncset.done $0x0  }
0x63: {  	[sflag:s12] =	ssyncadd.s32 $0xFFFFFF80  }
0x64: {  	_ =	swait.ge [sflag:s12], $0x80  }
0x65: {  	[sflag:s12] =	ssyncset.done $0x0  }
0x66: {  	[sflag:s12] =	ssyncadd.s32 $0xFFFFFF80  }
0x67: {  	_ =	swait.ge [sflag:s12], $0x80  }
0x68: {  	[sflag:s12] =	ssyncset.done $0x0  }
0x69: {  	[sflag:s12] =	ssyncadd.s32 $0xFFFFFF80  }
0x6a: {  	[hbm4b:s5+s2] =	stream.linear.scatter [tilespmem:s6], [sflag:$0x2], $0x200, $0x38;
	[tilespmem:$0x600] =	vst v63  }
0x6b: {  	_ =	swait.ge [sflag:s4], $0x200  }
0x6c: {  	[sflag:s4] =	ssyncset.done $0x0  }
0x6d: {  	[sflag:s4] =	ssyncadd.s32 $0xFFFFFE00  }
0x6e: {  	[tilespmem:s2], [sflag:$0x2] =	stream.linear.gather [hbm4b:s16+s2], $0x200, $0x38;
	[tilespmem:$0x600] =	vst v63  }
.Ltmp1:
0x6f: {  	_ =	swait.ge [sflag:s4], $0x200;
	(pc) =	sbr.rel @p0 .LBB2_1-.Ltmp1, $4  }
0x70: {  	[sflag:s4] =	ssyncset.done $0x0  }
0x71: {  	[sflag:s4] =	ssyncadd.s32 $0xFFFFFE00  }
0x72: {  	v32 =	vld [tilespmem:$0x130]  }
0x73: {  	v33 =	vld [tilespmem:$0x1C0]  }
.LBB2_2:
0x74: {  	v34 =	vld [tilespmem:$0x1D0]  }
0x75: {  	v35 =	vld [tilespmem:$0x1E0]  }
0x76: {  	v36 =	vld [tilespmem:$0x20]  }
0x77: {  	v37 =	vld [tilespmem:$0x0];
	v61 =	vadd.s32 v32, v24  }
0x78: {  	v58 =	vld [tilespmem:$0x1F0];
	v28 =	vadd.s32 v33, v28;
	[tilespmem:$0x330] =	vst v61  }
0x79: {  	v59 =	vld [tilespmem:$0x170];
	v31 =	vadd.s32 v34, v31;
	[tilespmem:$0x3C0] =	vst v28  }
0x7a: {  	v60 =	vld [tilespmem:$0x190];
	v30 =	vadd.s32 v35, v30;
	[tilespmem:$0x3D0] =	vst v31  }
0x7b: {  	v62 =	vld [tilespmem:$0x180];
	v14 =	vadd.s32 v36, v14;
	[tilespmem:$0x3E0] =	vst v30  }
0x7c: {  	v63 =	vld [tilespmem:$0x40];
	v8 =	vadd.s32 v37, v8;
	[tilespmem:$0x220] =	vst v14  }
0x7d: {  	v39 =	vld [tilespmem:$0xA0];
	v29 =	vadd.s32 v58, v29;
	[tilespmem:$0x200] =	vst v8  }
0x7e: {  	v42 =	vld [tilespmem:$0x30];
	v25 =	vadd.s32 v59, v25;
	[tilespmem:$0x3F0] =	vst v29  }
0x7f: {  	v45 =	vld [tilespmem:$0xB0];
	v27 =	vadd.s32 v60, v27;
	[tilespmem:$0x370] =	vst v25  }
0x80: {  	v46 =	vld [tilespmem:$0xC0];
	v24 =	vadd.s32 v62, v26;
	[tilespmem:$0x390] =	vst v27  }
0x81: {  	v48 =	vld [tilespmem:$0x120];
	v3 =	vadd.s32 v63, v3;
	[tilespmem:$0x380] =	vst v24  }
0x82: {  	v49 =	vld [tilespmem:$0xD0];
	v47 =	vadd.s32 v39, v13;
	[tilespmem:$0x240] =	vst v3  }
0x83: {  	v54 =	vld [tilespmem:$0x100];
	v1 =	vadd.s32 v42, v1;
	[tilespmem:$0x2A0] =	vst v47  }
0x84: {  	v55 =	vld [tilespmem:$0x90];
	v51 =	vadd.s32 v45, v6;
	[tilespmem:$0x230] =	vst v1  }
0x85: {  	v50 =	vld [tilespmem:$0x110];
	v53 =	vadd.s32 v46, v15;
	[tilespmem:$0x2B0] =	vst v51  }
0x86: {  	v32 =	vld [tilespmem:$0x50];
	v56 =	vadd.s32 v48, v18;
	[tilespmem:$0x2C0] =	vst v53  }
0x87: {  	v33 =	vld [tilespmem:$0x60];
	v57 =	vadd.s32 v49, v10;
	[tilespmem:$0x320] =	vst v56  }
0x88: {  	v61 =	vld [tilespmem:$0x10];
	v6 =	vadd.s32 v54, v16;
	[tilespmem:$0x2D0] =	vst v57  }
0x89: {  	v34 =	vld [tilespmem:$0x70];
	v2 =	vadd.s32 v55, v2;
	[tilespmem:$0x300] =	vst v6  }
0x8a: {  	v35 =	vld [tilespmem:$0x160];
	v3 =	vadd.s32 v50, v17;
	[tilespmem:$0x290] =	vst v2  }
0x8b: {  	v36 =	vld [tilespmem:$0x80];
	[tilespmem:$0x310] =	vst v3;
	v4 =	vadd.s32 v32, v4  }
0x8c: {  	v37 =	vld [tilespmem:$0x150];
	v38 =	vadd.s32 v33, v12;
	[tilespmem:$0x250] =	vst v4  }
0x8d: {  	v41 =	vld [tilespmem:$0x140];
	v0 =	vadd.s32 v61, v0;
	[tilespmem:$0x260] =	vst v38  }
0x8e: {  	v52 =	vld [tilespmem:$0xE0];
	v40 =	vadd.s32 v34, v9;
	[tilespmem:$0x210] =	vst v0  }
0x8f: {  	v58 =	vld [tilespmem:$0xF0];
	v43 =	vadd.s32 v35, v23;
	[tilespmem:$0x270] =	vst v40  }
0x90: {  	v59 =	vld [tilespmem:$0x1A0];
	v44 =	vadd.s32 v36, v5;
	[tilespmem:$0x360] =	vst v43  }
0x91: {  	v60 =	vld [tilespmem:$0x1B0];
	v8 =	vadd.s32 v37, v20;
	[tilespmem:$0x280] =	vst v44  }
0x92: {  	v9 =	vadd.s32 v41, v19;
	[tilespmem:$0x350] =	vst v8  }
0x93: {  	v5 =	vadd.s32 v52, v7;
	[tilespmem:$0x340] =	vst v9  }
0x94: {  	v62 =	vadd.s32 v58, v11;
	[tilespmem:$0x2E0] =	vst v5  }
0x95: {  	v1 =	vadd.s32 v59, v22;
	[tilespmem:$0x2F0] =	vst v62  }
0x96: {  	v63 =	vadd.s32 v60, v21;
	[tilespmem:$0x3A0] =	vst v1  }
0x97: {  	[tilespmem:$0x3B0] =	vst v63  }
0x98: {  	[tilespmem:s6], [sflag:$0x1] =	stream.indirect.gather [hbm4b:s3+s7], $0x1, s8, s7, $0xb8;
	[tilespmem:$0x600] =	vst v63  }
0x99: {  	_ = 	snop  }
0x9a: {  	[tilespmem:s10], [sflag:$0x1] =	stream.indirect.gather [hbm4b:s3+s7], $0x1, s9, s7, $0xb8;
	[tilespmem:$0x600] =	vst v63  }
0x9b: {  	_ = 	snop  }
0x9c: {  	[tilespmem:s13], [sflag:$0x1] =	stream.indirect.gather [hbm4b:s3+s7], $0x1, s11, s7, $0xb8;
	[tilespmem:$0x600] =	vst v63  }
0x9d: {  	_ = 	snop  }
0x9e: {  	[tilespmem:s15], [sflag:$0x1] =	stream.indirect.gather [hbm4b:s3+s7], $0x1, s14, s7, $0xb8;
	[tilespmem:$0x600] =	vst v63  }
0x9f: {  	_ =	swait.ge [sflag:s12], $0x80  }
0xa0: {  	[sflag:s12] =	ssyncset.done $0x0  }
0xa1: {  	[sflag:s12] =	ssyncadd.s32 $0xFFFFFF80  }
0xa2: {  	_ =	swait.ge [sflag:s12], $0x80  }
0xa3: {  	[sflag:s12] =	ssyncset.done $0x0  }
0xa4: {  	[sflag:s12] =	ssyncadd.s32 $0xFFFFFF80  }
0xa5: {  	_ =	swait.ge [sflag:s12], $0x80  }
0xa6: {  	[sflag:s12] =	ssyncset.done $0x0  }
0xa7: {  	[sflag:s12] =	ssyncadd.s32 $0xFFFFFF80  }
0xa8: {  	_ =	swait.ge [sflag:s12], $0x80  }
0xa9: {  	[sflag:s12] =	ssyncset.done $0x0  }
0xaa: {  	[sflag:s12] =	ssyncadd.s32 $0xFFFFFF80  }
0xab: {  	[hbm4b:s5+s2] =	stream.linear.scatter [tilespmem:s6], [sflag:$0x2], $0x200, $0x38;
	[tilespmem:$0x600] =	vst v63  }
0xac: {  	_ =	swait.ge [sflag:s4], $0x200  }
0xad: {  	[sflag:s4] =	ssyncset.done $0x0  }
0xae: {  	[sflag:s4] =	ssyncadd.s32 $0xFFFFFE00  }
0xaf: {  	_ =	sfence.sel $0x180000  }
0xb0: {  	[bflag:$0x0] =	sbarrier.arrive $0xFFFF  }
0xb1: {  	p0 =	sne.s32 s0, $0x0;
	_ =	strace $0x90000047  }
0xb2: {  	s0 =	sadd.s32 @!p0 $0x100000, s1;
	[bflag:$0x2] =	sbarrier.arrive $0xFFFF  }
0xb3: {  	[sflag:s0] =	ssyncadd.tile.s32 @!p0 $0x1;
	_ =	shalt  }
.Lfunc_end2:
_tile_overlayer_lowered:
.L_overlay_start_2:
0xb4: {  	(tag) =	ssettag $0x2  }
0xb5: {  	s0 =	rddreg [dreg:$0x0];
	s2 =	stileid.u32  }
0xb6: {  	s1 =	rddreg [dreg:$0x1];
	p0 =	sne.s32 s2, $0x0  }
0xb7: {  	s3 =	rddreg [dreg:$0x2];
	[bflag:$0x3] =	sbarrier.arrive $0xFFFF;
	s2 =	simm.s32 @!p0 $0x1C02  }
0xb8: {  	[timem:s3], [sflag:s2] =	dma.local @!p0 [hbm:s0], s1  }
0xb9: {  	s0 =	simm.s32 @!p0 $0x2  }
0xba: {  	_ =	swait.ge @!p0 [sflag:s0], s1  }
0xbb: {  	s1 =	ssub.s32 @!p0 $0x0, s1;
	[sflag:s0] =	ssyncset.done @!p0 $0x0  }
0xbc: {  	[sflag:s0] =	ssyncadd.s32 @!p0 s1  }
0xbd: {  	[bflag:$0x3] =	sbarrier.arrive $0xFFFF  }
0xbe: {  	_ =	shalt  }

</sc_bundles>
